<compile_context>
chip_gen: v7x
topology: tpu7x:2x2x1
jax: 0.10.2.dev20260603
libtpu: 0.0.44.dev20260713+nightly
codegen_flags: <defaults>
</compile_context>

<pallas_src>
import functools

import jax
import jax.numpy as jnp
from jax import lax
from jax.experimental import pallas as pl
from jax.experimental.pallas import tpu as pltpu
from jax.experimental.pallas import tpu_sc as plsc

BATCH = 16384
NUM_FIELDS = 26
FIELD_VOCAB = 1000000
NUM_NUMERICAL = 13
BN_EPS = 1e-5

NC = 2
NS = 16
NW = NC * NS
BPW = BATCH // NW
VECS = BPW // 16
CHUNK = 128
CPF = BPW // CHUNK


def _sc_body(idx_hbm, table_hbm, out_hbm, idx_v, vals_v, acc_v, sem):
    c = lax.axis_index("c")
    s = lax.axis_index("s")
    wid = s * NC + c
    base = wid * BPW

    pltpu.sync_copy(idx_hbm.at[:, pl.ds(base, BPW)], idx_v)

    def _field(f, _):
        off = f * FIELD_VOCAB

        def _vec(v, _):
            sl = pl.ds(v * 16, 16)
            idx_v[f, sl] = idx_v[f, sl] + off
            return 0

        lax.fori_loop(0, VECS, _vec, 0, unroll=True)
        return 0

    lax.fori_loop(0, NUM_FIELDS, _field, 0)

    def _fire(j, _):
        f = j // CPF
        ch = j - f * CPF
        src = table_hbm.at[idx_v.at[f, pl.ds(ch * CHUNK, CHUNK)]]
        dst = vals_v.at[pl.ds(j * CHUNK, CHUNK)]
        pltpu.make_async_copy(src, dst, sem).start()
        return 0

    lax.fori_loop(0, NUM_FIELDS * CPF, _fire, 0)
    pltpu.make_async_copy(
        table_hbm.at[pl.ds(0, NUM_FIELDS * BPW)], vals_v, sem).wait()

    def _zero(v, _):
        acc_v[pl.ds(v * 16, 16)] = jnp.zeros((16,), jnp.float32)
        return 0

    lax.fori_loop(0, VECS, _zero, 0, unroll=True)

    def _accf(f, _):
        def _vec(v, _):
            sl = pl.ds(v * 16, 16)
            acc_v[sl] = acc_v[sl] + vals_v[pl.ds(f * BPW + v * 16, 16)]
            return 0

        lax.fori_loop(0, VECS, _vec, 0, unroll=True)
        return 0

    lax.fori_loop(0, NUM_FIELDS, _accf, 0)

    pltpu.sync_copy(acc_v, out_hbm.at[pl.ds(base, BPW)])


@jax.jit
def _sc_gather_sum(idx_t, table1d):
    mesh = plsc.VectorSubcoreMesh(core_axis_name="c", subcore_axis_name="s")
    return pl.kernel(
        _sc_body,
        out_type=jax.ShapeDtypeStruct((BATCH,), jnp.float32),
        mesh=mesh,
        scratch_types=[
            pltpu.VMEM((NUM_FIELDS, BPW), jnp.int32),
            pltpu.VMEM((NUM_FIELDS * BPW,), jnp.float32),
            pltpu.VMEM((BPW,), jnp.float32),
            pltpu.SemaphoreType.DMA,
        ],
    )(idx_t, table1d)


def _tc_body(num_ref, w_ref, bias_ref, gamma_ref, beta_ref, cat_ref, out_ref):
    x = num_ref[...]
    mean = jnp.mean(x, axis=0, keepdims=True)
    var = jnp.mean((x - mean) ** 2, axis=0, keepdims=True)
    xn = (x - mean) * lax.rsqrt(var + BN_EPS) * gamma_ref[...] + beta_ref[...]
    lin = jnp.sum(xn * w_ref[...], axis=1, keepdims=True)
    out_ref[...] = lin + cat_ref[...] + bias_ref[0, 0]


@jax.jit
def _tc_bn_linear(numerical_x, w, bias, gamma, beta, cat_sum):
    return pl.pallas_call(
        _tc_body,
        out_shape=jax.ShapeDtypeStruct((BATCH, 1), jnp.float32),
    )(numerical_x, w, bias, gamma, beta, cat_sum)


def kernel(numerical_x, categorical_x, cat_table, num_weight, bias, bn_gamma,
           bn_beta, field_offsets):
    idx_t = categorical_x.astype(jnp.int32).T
    table1d = cat_table.reshape(-1)
    cat_sum = _sc_gather_sum(idx_t, table1d)
    return _tc_bn_linear(
        numerical_x, num_weight, bias.reshape(1, 1),
        bn_gamma.reshape(1, NUM_NUMERICAL), bn_beta.reshape(1, NUM_NUMERICAL),
        cat_sum.reshape(BATCH, 1))

# --- scband reference (transcript-rebuilt; emitter-appended) ---
"""Pipeline reference for scband-model-8993661517926 (READ-ONLY COPY).

The authoritative reference and input builder live on the scoring server;
editing this copy changes nothing except your own understanding.
"""

import jax, jax.numpy as jnp
import numpy as np

BATCH = 16384
NUM_FIELDS = 26
FIELD_VOCAB = 1000000
NUM_NUMERICAL = 13
TOTAL_VOCAB = NUM_FIELDS * FIELD_VOCAB
BN_EPS = 1e-5


def setup_inputs(seed: int = 0) -> dict:
    key = jax.random.key(seed)
    k1, k2, k3, k4 = jax.random.split(key, 4)
    numerical_x = jax.random.normal(k1, (BATCH, NUM_NUMERICAL), dtype=jnp.float32)
    categorical_x = jax.random.randint(k2, (BATCH, NUM_FIELDS), 0, FIELD_VOCAB, dtype=jnp.int64)
    # xavier-uniform-like init for the (TOTAL_VOCAB, 1) embedding table
    bound = float(np.sqrt(6.0 / (TOTAL_VOCAB + 1)))
    cat_table = jax.random.uniform(k3, (TOTAL_VOCAB, 1), dtype=jnp.float32, minval=-bound, maxval=bound)
    bound_n = float(np.sqrt(6.0 / (NUM_NUMERICAL + 1)))
    num_weight = jax.random.uniform(k4, (1, NUM_NUMERICAL), dtype=jnp.float32, minval=-bound_n, maxval=bound_n)
    bias = jnp.zeros((1,), dtype=jnp.float32)
    bn_gamma = jnp.ones((NUM_NUMERICAL,), dtype=jnp.float32)
    bn_beta = jnp.zeros((NUM_NUMERICAL,), dtype=jnp.float32)
    field_offsets = (jnp.arange(NUM_FIELDS, dtype=jnp.int64) * FIELD_VOCAB)
    return {
        "numerical_x": numerical_x,
        "categorical_x": categorical_x,
        "cat_table": cat_table,
        "num_weight": num_weight,
        "bias": bias,
        "bn_gamma": bn_gamma,
        "bn_beta": bn_beta,
        "field_offsets": field_offsets,
    }


def reference(numerical_x, categorical_x, cat_table, num_weight, bias, bn_gamma, bn_beta, field_offsets):
    # BatchNorm1d in training mode: normalize with batch statistics (biased var)
    mean = jnp.mean(numerical_x, axis=0)
    var = jnp.var(numerical_x, axis=0)
    xn = (numerical_x - mean) / jnp.sqrt(var + BN_EPS) * bn_gamma + bn_beta
    # categorical first-order: gather from global table using offset-shifted indices
    global_indices = categorical_x + field_offsets[None, :]  # [B, F]
    cat_w = jnp.take(cat_table, global_indices, axis=0)  # [B, F, 1]
    first_order = jnp.sum(cat_w, axis=(1, 2))  # [B]
    # numerical first-order: linear(13 -> 1), no bias
    first_order = first_order + jnp.squeeze(xn @ num_weight.T, axis=-1)
    out = bias[0] + first_order  # bias.expand(batch) + first_order
    return out[:, None]  # [B, 1]

if __name__ == "__main__":
    import jax
    _d = setup_inputs()
    print(jax.jit(kernel)(*tuple(_d.values())))

</pallas_src>

<mosaic_0001>
#map = affine_map<(d0, d1) -> (0, 0)>
#map1 = affine_map<(d0, d1) -> (0)>
module attributes {stable_mosaic.version = 14 : i64} {
  func.func @_sc_body(%arg0: i32, %arg1: i32, %arg2: memref<26x16384xi32, #tpu.memory_space<hbm>>, %arg3: memref<26000000xf32, #tpu.memory_space<hbm>>, %arg4: memref<16384xf32, #tpu.memory_space<hbm>>, %arg5: memref<26x512xi32, #tpu.memory_space<vmem>>, %arg6: memref<13312xf32, #tpu.memory_space<vmem>>, %arg7: memref<512xf32, #tpu.memory_space<vmem>>, %arg8: memref<!tpu.dma_semaphore, #tpu.memory_space<semaphore_mem>>) attributes {dimension_semantics = [#tpu.dimension_semantics<core_parallel>, #tpu.dimension_semantics<subcore_parallel>], iteration_bounds = array<i64: 2, 16>, scalar_prefetch = 0 : i64, scratch_operands = 4 : i64, tpu.core_type = #tpu.core_type<sc_vector_subcore>, window_params = [{transform_indices = #map}, {transform_indices = #map1}, {transform_indices = #map1}]} {
    %mul3A = arith.constant 2 : i32
    %mul3A_0 = arith.muli %arg1, %mul3A : i32
    %add3A = arith.addi %mul3A_0, %arg0 : i32
    %mul3A_1 = arith.constant 512 : i32
    %mul3A_2 = arith.muli %add3A, %mul3A_1 : i32
    "tpu.region"() ({
      %run_scoped3A = tpu.sem_alloc : memref<!tpu.dma_semaphore, #tpu.memory_space<semaphore_mem>>
      %dma_start3A = arith.constant 0 : i32
      %dma_start3A_346 = tpu.memref_slice %arg2[%dma_start3A, %mul3A_2] : memref<26x16384xi32, #tpu.memory_space<hbm>> -> memref<26x512xi32, #tpu.memory_space<hbm>>
      %dma_start3A_347 = arith.constant 0 : i32
      %dma_start3A_348 = tpu.memref_slice %arg2[%dma_start3A_347, %mul3A_2] : memref<26x16384xi32, #tpu.memory_space<hbm>> -> memref<26x512xi32, #tpu.memory_space<hbm>>
      tpu.enqueue_dma source(%dma_start3A_348 : memref<26x512xi32, #tpu.memory_space<hbm>>) target(%arg5 : memref<26x512xi32, #tpu.memory_space<vmem>>) target_semaphore(%run_scoped3A : memref<!tpu.dma_semaphore, #tpu.memory_space<semaphore_mem>>)
      %dma_wait3A_349 = arith.constant 0 : i32
      %dma_wait3A_350 = tpu.memref_slice %arg2[%dma_wait3A_349, %mul3A_2] : memref<26x16384xi32, #tpu.memory_space<hbm>> -> memref<26x512xi32, #tpu.memory_space<hbm>>
      %dma_wait3A_351 = arith.constant 0 : i32
      %dma_wait3A_352 = tpu.memref_slice %arg2[%dma_wait3A_351, %mul3A_2] : memref<26x16384xi32, #tpu.memory_space<hbm>> -> memref<26x512xi32, #tpu.memory_space<hbm>>
      tpu.wait_dma2 semaphore(%run_scoped3A : memref<!tpu.dma_semaphore, #tpu.memory_space<semaphore_mem>>) src(%dma_wait3A_352 : memref<26x512xi32, #tpu.memory_space<hbm>>) dst(%arg5 : memref<26x512xi32, #tpu.memory_space<vmem>>)
      tpu.yield
    }) : () -> ()
    %scan3A = arith.constant 0 : i32
    %scan3A_3 = arith.constant 0 : i32
    %scan3A_4 = arith.constant 26 : i32
    %scan3A_5 = arith.addi %scan3A_3, %scan3A_4 : i32
    %scan3A_6 = arith.constant 1 : i32
    %scan3A_7 = scf.for %scan3A_346 = %scan3A_3 to %scan3A_5 step %scan3A_6 iter_args(%scan3A_347 = %scan3A) -> (i32)  : i32 {
      %mul3A_348 = arith.constant 1000000 : i32
      %mul3A_349 = arith.muli %scan3A_346, %mul3A_348 : i32
      %scan3A_350 = arith.constant 0 : i32
      %scan3A_351 = arith.constant 0 : i32
      %mul3A_352 = arith.constant 16 : i32
      %mul3A_353 = arith.muli %scan3A_351, %mul3A_352 : i32
      %get3A = arith.index_cast %scan3A_346 : i32 to index
      %get3A_354 = arith.index_cast %mul3A_353 : i32 to index
      %get3A_355 = tpu.vector_load %arg5[%get3A, %get3A_354] {strides = array<i32>} : memref<26x512xi32, #tpu.memory_space<vmem>>, vector<1x16xi32>,
      %get3A_356 = vector.shape_cast %get3A_355 : vector<1x16xi32> to vector<16xi32>
      %add3A_357 = vector.broadcast %mul3A_349 : i32 to vector<16xi32>
      %add3A_358 = arith.addi %get3A_356, %add3A_357 : vector<16xi32>
      %swap3A_359 = arith.index_cast %scan3A_346 : i32 to index
      %swap3A_360 = arith.index_cast %mul3A_353 : i32 to index
      %swap3A_361 = tpu.vector_load %arg5[%swap3A_359, %swap3A_360] {strides = array<i32>} : memref<26x512xi32, #tpu.memory_space<vmem>>, vector<1x16xi32>,
      %swap3A_362 = vector.shape_cast %swap3A_361 : vector<1x16xi32> to vector<16xi32>
      %swap3A_363 = vector.shape_cast %add3A_358 : vector<16xi32> to vector<1x16xi32>
      tpu.vector_store %arg5[%swap3A_359, %swap3A_360], %swap3A_363 {strides = array<i32>} : memref<26x512xi32, #tpu.memory_space<vmem>>, vector<1x16xi32>,
      %scan3A_364 = arith.constant 0 : i32
      %scan3A_365 = arith.constant 1 : i32
      %mul3A_366 = arith.constant 16 : i32
      %mul3A_367 = arith.muli %scan3A_365, %mul3A_366 : i32
      %get3A_368 = arith.index_cast %scan3A_346 : i32 to index
      %get3A_369 = arith.index_cast %mul3A_367 : i32 to index
      %get3A_370 = tpu.vector_load %arg5[%get3A_368, %get3A_369] {strides = array<i32>} : memref<26x512xi32, #tpu.memory_space<vmem>>, vector<1x16xi32>,
      %get3A_371 = vector.shape_cast %get3A_370 : vector<1x16xi32> to vector<16xi32>
      %add3A_372 = vector.broadcast %mul3A_349 : i32 to vector<16xi32>
      %add3A_373 = arith.addi %get3A_371, %add3A_372 : vector<16xi32>
      %swap3A_374 = arith.index_cast %scan3A_346 : i32 to index
      %swap3A_375 = arith.index_cast %mul3A_367 : i32 to index
      %swap3A_376 = tpu.vector_load %arg5[%swap3A_374, %swap3A_375] {strides = array<i32>} : memref<26x512xi32, #tpu.memory_space<vmem>>, vector<1x16xi32>,
      %swap3A_377 = vector.shape_cast %swap3A_376 : vector<1x16xi32> to vector<16xi32>
      %swap3A_378 = vector.shape_cast %add3A_373 : vector<16xi32> to vector<1x16xi32>
      tpu.vector_store %arg5[%swap3A_374, %swap3A_375], %swap3A_378 {strides = array<i32>} : memref<26x512xi32, #tpu.memory_space<vmem>>, vector<1x16xi32>,
      %scan3A_379 = arith.constant 0 : i32
      %scan3A_380 = arith.constant 2 : i32
      %mul3A_381 = arith.constant 16 : i32
      %mul3A_382 = arith.muli %scan3A_380, %mul3A_381 : i32
      %get3A_383 = arith.index_cast %scan3A_346 : i32 to index
      %get3A_384 = arith.index_cast %mul3A_382 : i32 to index
      %get3A_385 = tpu.vector_load %arg5[%get3A_383, %get3A_384] {strides = array<i32>} : memref<26x512xi32, #tpu.memory_space<vmem>>, vector<1x16xi32>,
      %get3A_386 = vector.shape_cast %get3A_385 : vector<1x16xi32> to vector<16xi32>
      %add3A_387 = vector.broadcast %mul3A_349 : i32 to vector<16xi32>
      %add3A_388 = arith.addi %get3A_386, %add3A_387 : vector<16xi32>
      %swap3A_389 = arith.index_cast %scan3A_346 : i32 to index
      %swap3A_390 = arith.index_cast %mul3A_382 : i32 to index
      %swap3A_391 = tpu.vector_load %arg5[%swap3A_389, %swap3A_390] {strides = array<i32>} : memref<26x512xi32, #tpu.memory_space<vmem>>, vector<1x16xi32>,
      %swap3A_392 = vector.shape_cast %swap3A_391 : vector<1x16xi32> to vector<16xi32>
      %swap3A_393 = vector.shape_cast %add3A_388 : vector<16xi32> to vector<1x16xi32>
      tpu.vector_store %arg5[%swap3A_389, %swap3A_390], %swap3A_393 {strides = array<i32>} : memref<26x512xi32, #tpu.memory_space<vmem>>, vector<1x16xi32>,
      %scan3A_394 = arith.constant 0 : i32
      %scan3A_395 = arith.constant 3 : i32
      %mul3A_396 = arith.constant 16 : i32
      %mul3A_397 = arith.muli %scan3A_395, %mul3A_396 : i32
      %get3A_398 = arith.index_cast %scan3A_346 : i32 to index
      %get3A_399 = arith.index_cast %mul3A_397 : i32 to index
      %get3A_400 = tpu.vector_load %arg5[%get3A_398, %get3A_399] {strides = array<i32>} : memref<26x512xi32, #tpu.memory_space<vmem>>, vector<1x16xi32>,
      %get3A_401 = vector.shape_cast %get3A_400 : vector<1x16xi32> to vector<16xi32>
      %add3A_402 = vector.broadcast %mul3A_349 : i32 to vector<16xi32>
      %add3A_403 = arith.addi %get3A_401, %add3A_402 : vector<16xi32>
      %swap3A_404 = arith.index_cast %scan3A_346 : i32 to index
      %swap3A_405 = arith.index_cast %mul3A_397 : i32 to index
      %swap3A_406 = tpu.vector_load %arg5[%swap3A_404, %swap3A_405] {strides = array<i32>} : memref<26x512xi32, #tpu.memory_space<vmem>>, vector<1x16xi32>,
      %swap3A_407 = vector.shape_cast %swap3A_406 : vector<1x16xi32> to vector<16xi32>
      %swap3A_408 = vector.shape_cast %add3A_403 : vector<16xi32> to vector<1x16xi32>
      tpu.vector_store %arg5[%swap3A_404, %swap3A_405], %swap3A_408 {strides = array<i32>} : memref<26x512xi32, #tpu.memory_space<vmem>>, vector<1x16xi32>,
      %scan3A_409 = arith.constant 0 : i32
      %scan3A_410 = arith.constant 4 : i32
      %mul3A_411 = arith.constant 16 : i32
      %mul3A_412 = arith.muli %scan3A_410, %mul3A_411 : i32
      %get3A_413 = arith.index_cast %scan3A_346 : i32 to index
      %get3A_414 = arith.index_cast %mul3A_412 : i32 to index
      %get3A_415 = tpu.vector_load %arg5[%get3A_413, %get3A_414] {strides = array<i32>} : memref<26x512xi32, #tpu.memory_space<vmem>>, vector<1x16xi32>,
      %get3A_416 = vector.shape_cast %get3A_415 : vector<1x16xi32> to vector<16xi32>
      %add3A_417 = vector.broadcast %mul3A_349 : i32 to vector<16xi32>
      %add3A_418 = arith.addi %get3A_416, %add3A_417 : vector<16xi32>
      %swap3A_419 = arith.index_cast %scan3A_346 : i32 to index
      %swap3A_420 = arith.index_cast %mul3A_412 : i32 to index
      %swap3A_421 = tpu.vector_load %arg5[%swap3A_419, %swap3A_420] {strides = array<i32>} : memref<26x512xi32, #tpu.memory_space<vmem>>, vector<1x16xi32>,
      %swap3A_422 = vector.shape_cast %swap3A_421 : vector<1x16xi32> to vector<16xi32>
      %swap3A_423 = vector.shape_cast %add3A_418 : vector<16xi32> to vector<1x16xi32>
      tpu.vector_store %arg5[%swap3A_419, %swap3A_420], %swap3A_423 {strides = array<i32>} : memref<26x512xi32, #tpu.memory_space<vmem>>, vector<1x16xi32>,
      %scan3A_424 = arith.constant 0 : i32
      %scan3A_425 = arith.constant 5 : i32
      %mul3A_426 = arith.constant 16 : i32
      %mul3A_427 = arith.muli %scan3A_425, %mul3A_426 : i32
      %get3A_428 = arith.index_cast %scan3A_346 : i32 to index
      %get3A_429 = arith.index_cast %mul3A_427 : i32 to index
      %get3A_430 = tpu.vector_load %arg5[%get3A_428, %get3A_429] {strides = array<i32>} : memref<26x512xi32, #tpu.memory_space<vmem>>, vector<1x16xi32>,
      %get3A_431 = vector.shape_cast %get3A_430 : vector<1x16xi32> to vector<16xi32>
      %add3A_432 = vector.broadcast %mul3A_349 : i32 to vector<16xi32>
      %add3A_433 = arith.addi %get3A_431, %add3A_432 : vector<16xi32>
      %swap3A_434 = arith.index_cast %scan3A_346 : i32 to index
      %swap3A_435 = arith.index_cast %mul3A_427 : i32 to index
      %swap3A_436 = tpu.vector_load %arg5[%swap3A_434, %swap3A_435] {strides = array<i32>} : memref<26x512xi32, #tpu.memory_space<vmem>>, vector<1x16xi32>,
      %swap3A_437 = vector.shape_cast %swap3A_436 : vector<1x16xi32> to vector<16xi32>
      %swap3A_438 = vector.shape_cast %add3A_433 : vector<16xi32> to vector<1x16xi32>
      tpu.vector_store %arg5[%swap3A_434, %swap3A_435], %swap3A_438 {strides = array<i32>} : memref<26x512xi32, #tpu.memory_space<vmem>>, vector<1x16xi32>,
      %scan3A_439 = arith.constant 0 : i32
      %scan3A_440 = arith.constant 6 : i32
      %mul3A_441 = arith.constant 16 : i32
      %mul3A_442 = arith.muli %scan3A_440, %mul3A_441 : i32
      %get3A_443 = arith.index_cast %scan3A_346 : i32 to index
      %get3A_444 = arith.index_cast %mul3A_442 : i32 to index
      %get3A_445 = tpu.vector_load %arg5[%get3A_443, %get3A_444] {strides = array<i32>} : memref<26x512xi32, #tpu.memory_space<vmem>>, vector<1x16xi32>,
      %get3A_446 = vector.shape_cast %get3A_445 : vector<1x16xi32> to vector<16xi32>
      %add3A_447 = vector.broadcast %mul3A_349 : i32 to vector<16xi32>
      %add3A_448 = arith.addi %get3A_446, %add3A_447 : vector<16xi32>
      %swap3A_449 = arith.index_cast %scan3A_346 : i32 to index
      %swap3A_450 = arith.index_cast %mul3A_442 : i32 to index
      %swap3A_451 = tpu.vector_load %arg5[%swap3A_449, %swap3A_450] {strides = array<i32>} : memref<26x512xi32, #tpu.memory_space<vmem>>, vector<1x16xi32>,
      %swap3A_452 = vector.shape_cast %swap3A_451 : vector<1x16xi32> to vector<16xi32>
      %swap3A_453 = vector.shape_cast %add3A_448 : vector<16xi32> to vector<1x16xi32>
      tpu.vector_store %arg5[%swap3A_449, %swap3A_450], %swap3A_453 {strides = array<i32>} : memref<26x512xi32, #tpu.memory_space<vmem>>, vector<1x16xi32>,
      %scan3A_454 = arith.constant 0 : i32
      %scan3A_455 = arith.constant 7 : i32
      %mul3A_456 = arith.constant 16 : i32
      %mul3A_457 = arith.muli %scan3A_455, %mul3A_456 : i32
      %get3A_458 = arith.index_cast %scan3A_346 : i32 to index
      %get3A_459 = arith.index_cast %mul3A_457 : i32 to index
      %get3A_460 = tpu.vector_load %arg5[%get3A_458, %get3A_459] {strides = array<i32>} : memref<26x512xi32, #tpu.memory_space<vmem>>, vector<1x16xi32>,
      %get3A_461 = vector.shape_cast %get3A_460 : vector<1x16xi32> to vector<16xi32>
      %add3A_462 = vector.broadcast %mul3A_349 : i32 to vector<16xi32>
      %add3A_463 = arith.addi %get3A_461, %add3A_462 : vector<16xi32>
      %swap3A_464 = arith.index_cast %scan3A_346 : i32 to index
      %swap3A_465 = arith.index_cast %mul3A_457 : i32 to index
      %swap3A_466 = tpu.vector_load %arg5[%swap3A_464, %swap3A_465] {strides = array<i32>} : memref<26x512xi32, #tpu.memory_space<vmem>>, vector<1x16xi32>,
      %swap3A_467 = vector.shape_cast %swap3A_466 : vector<1x16xi32> to vector<16xi32>
      %swap3A_468 = vector.shape_cast %add3A_463 : vector<16xi32> to vector<1x16xi32>
      tpu.vector_store %arg5[%swap3A_464, %swap3A_465], %swap3A_468 {strides = array<i32>} : memref<26x512xi32, #tpu.memory_space<vmem>>, vector<1x16xi32>,
      %scan3A_469 = arith.constant 0 : i32
      %scan3A_470 = arith.constant 8 : i32
      %mul3A_471 = arith.constant 16 : i32
      %mul3A_472 = arith.muli %scan3A_470, %mul3A_471 : i32
      %get3A_473 = arith.index_cast %scan3A_346 : i32 to index
      %get3A_474 = arith.index_cast %mul3A_472 : i32 to index
      %get3A_475 = tpu.vector_load %arg5[%get3A_473, %get3A_474] {strides = array<i32>} : memref<26x512xi32, #tpu.memory_space<vmem>>, vector<1x16xi32>,
      %get3A_476 = vector.shape_cast %get3A_475 : vector<1x16xi32> to vector<16xi32>
      %add3A_477 = vector.broadcast %mul3A_349 : i32 to vector<16xi32>
      %add3A_478 = arith.addi %get3A_476, %add3A_477 : vector<16xi32>
      %swap3A_479 = arith.index_cast %scan3A_346 : i32 to index
      %swap3A_480 = arith.index_cast %mul3A_472 : i32 to index
      %swap3A_481 = tpu.vector_load %arg5[%swap3A_479, %swap3A_480] {strides = array<i32>} : memref<26x512xi32, #tpu.memory_space<vmem>>, vector<1x16xi32>,
      %swap3A_482 = vector.shape_cast %swap3A_481 : vector<1x16xi32> to vector<16xi32>
      %swap3A_483 = vector.shape_cast %add3A_478 : vector<16xi32> to vector<1x16xi32>
      tpu.vector_store %arg5[%swap3A_479, %swap3A_480], %swap3A_483 {strides = array<i32>} : memref<26x512xi32, #tpu.memory_space<vmem>>, vector<1x16xi32>,
      %scan3A_484 = arith.constant 0 : i32
      %scan3A_485 = arith.constant 9 : i32
      %mul3A_486 = arith.constant 16 : i32
      %mul3A_487 = arith.muli %scan3A_485, %mul3A_486 : i32
      %get3A_488 = arith.index_cast %scan3A_346 : i32 to index
      %get3A_489 = arith.index_cast %mul3A_487 : i32 to index
      %get3A_490 = tpu.vector_load %arg5[%get3A_488, %get3A_489] {strides = array<i32>} : memref<26x512xi32, #tpu.memory_space<vmem>>, vector<1x16xi32>,
      %get3A_491 = vector.shape_cast %get3A_490 : vector<1x16xi32> to vector<16xi32>
      %add3A_492 = vector.broadcast %mul3A_349 : i32 to vector<16xi32>
      %add3A_493 = arith.addi %get3A_491, %add3A_492 : vector<16xi32>
      %swap3A_494 = arith.index_cast %scan3A_346 : i32 to index
      %swap3A_495 = arith.index_cast %mul3A_487 : i32 to index
      %swap3A_496 = tpu.vector_load %arg5[%swap3A_494, %swap3A_495] {strides = array<i32>} : memref<26x512xi32, #tpu.memory_space<vmem>>, vector<1x16xi32>,
      %swap3A_497 = vector.shape_cast %swap3A_496 : vector<1x16xi32> to vector<16xi32>
      %swap3A_498 = vector.shape_cast %add3A_493 : vector<16xi32> to vector<1x16xi32>
      tpu.vector_store %arg5[%swap3A_494, %swap3A_495], %swap3A_498 {strides = array<i32>} : memref<26x512xi32, #tpu.memory_space<vmem>>, vector<1x16xi32>,
      %scan3A_499 = arith.constant 0 : i32
      %scan3A_500 = arith.constant 10 : i32
      %mul3A_501 = arith.constant 16 : i32
      %mul3A_502 = arith.muli %scan3A_500, %mul3A_501 : i32
      %get3A_503 = arith.index_cast %scan3A_346 : i32 to index
      %get3A_504 = arith.index_cast %mul3A_502 : i32 to index
      %get3A_505 = tpu.vector_load %arg5[%get3A_503, %get3A_504] {strides = array<i32>} : memref<26x512xi32, #tpu.memory_space<vmem>>, vector<1x16xi32>,
      %get3A_506 = vector.shape_cast %get3A_505 : vector<1x16xi32> to vector<16xi32>
      %add3A_507 = vector.broadcast %mul3A_349 : i32 to vector<16xi32>
      %add3A_508 = arith.addi %get3A_506, %add3A_507 : vector<16xi32>
      %swap3A_509 = arith.index_cast %scan3A_346 : i32 to index
      %swap3A_510 = arith.index_cast %mul3A_502 : i32 to index
      %swap3A_511 = tpu.vector_load %arg5[%swap3A_509, %swap3A_510] {strides = array<i32>} : memref<26x512xi32, #tpu.memory_space<vmem>>, vector<1x16xi32>,
      %swap3A_512 = vector.shape_cast %swap3A_511 : vector<1x16xi32> to vector<16xi32>
      %swap3A_513 = vector.shape_cast %add3A_508 : vector<16xi32> to vector<1x16xi32>
      tpu.vector_store %arg5[%swap3A_509, %swap3A_510], %swap3A_513 {strides = array<i32>} : memref<26x512xi32, #tpu.memory_space<vmem>>, vector<1x16xi32>,
      %scan3A_514 = arith.constant 0 : i32
      %scan3A_515 = arith.constant 11 : i32
      %mul3A_516 = arith.constant 16 : i32
      %mul3A_517 = arith.muli %scan3A_515, %mul3A_516 : i32
      %get3A_518 = arith.index_cast %scan3A_346 : i32 to index
      %get3A_519 = arith.index_cast %mul3A_517 : i32 to index
      %get3A_520 = tpu.vector_load %arg5[%get3A_518, %get3A_519] {strides = array<i32>} : memref<26x512xi32, #tpu.memory_space<vmem>>, vector<1x16xi32>,
      %get3A_521 = vector.shape_cast %get3A_520 : vector<1x16xi32> to vector<16xi32>
      %add3A_522 = vector.broadcast %mul3A_349 : i32 to vector<16xi32>
      %add3A_523 = arith.addi %get3A_521, %add3A_522 : vector<16xi32>
      %swap3A_524 = arith.index_cast %scan3A_346 : i32 to index
      %swap3A_525 = arith.index_cast %mul3A_517 : i32 to index
      %swap3A_526 = tpu.vector_load %arg5[%swap3A_524, %swap3A_525] {strides = array<i32>} : memref<26x512xi32, #tpu.memory_space<vmem>>, vector<1x16xi32>,
      %swap3A_527 = vector.shape_cast %swap3A_526 : vector<1x16xi32> to vector<16xi32>
      %swap3A_528 = vector.shape_cast %add3A_523 : vector<16xi32> to vector<1x16xi32>
      tpu.vector_store %arg5[%swap3A_524, %swap3A_525], %swap3A_528 {strides = array<i32>} : memref<26x512xi32, #tpu.memory_space<vmem>>, vector<1x16xi32>,
      %scan3A_529 = arith.constant 0 : i32
      %scan3A_530 = arith.constant 12 : i32
      %mul3A_531 = arith.constant 16 : i32
      %mul3A_532 = arith.muli %scan3A_530, %mul3A_531 : i32
      %get3A_533 = arith.index_cast %scan3A_346 : i32 to index
      %get3A_534 = arith.index_cast %mul3A_532 : i32 to index
      %get3A_535 = tpu.vector_load %arg5[%get3A_533, %get3A_534] {strides = array<i32>} : memref<26x512xi32, #tpu.memory_space<vmem>>, vector<1x16xi32>,
      %get3A_536 = vector.shape_cast %get3A_535 : vector<1x16xi32> to vector<16xi32>
      %add3A_537 = vector.broadcast %mul3A_349 : i32 to vector<16xi32>
      %add3A_538 = arith.addi %get3A_536, %add3A_537 : vector<16xi32>
      %swap3A_539 = arith.index_cast %scan3A_346 : i32 to index
      %swap3A_540 = arith.index_cast %mul3A_532 : i32 to index
      %swap3A_541 = tpu.vector_load %arg5[%swap3A_539, %swap3A_540] {strides = array<i32>} : memref<26x512xi32, #tpu.memory_space<vmem>>, vector<1x16xi32>,
      %swap3A_542 = vector.shape_cast %swap3A_541 : vector<1x16xi32> to vector<16xi32>
      %swap3A_543 = vector.shape_cast %add3A_538 : vector<16xi32> to vector<1x16xi32>
      tpu.vector_store %arg5[%swap3A_539, %swap3A_540], %swap3A_543 {strides = array<i32>} : memref<26x512xi32, #tpu.memory_space<vmem>>, vector<1x16xi32>,
      %scan3A_544 = arith.constant 0 : i32
      %scan3A_545 = arith.constant 13 : i32
      %mul3A_546 = arith.constant 16 : i32
      %mul3A_547 = arith.muli %scan3A_545, %mul3A_546 : i32
      %get3A_548 = arith.index_cast %scan3A_346 : i32 to index
      %get3A_549 = arith.index_cast %mul3A_547 : i32 to index
      %get3A_550 = tpu.vector_load %arg5[%get3A_548, %get3A_549] {strides = array<i32>} : memref<26x512xi32, #tpu.memory_space<vmem>>, vector<1x16xi32>,
      %get3A_551 = vector.shape_cast %get3A_550 : vector<1x16xi32> to vector<16xi32>
      %add3A_552 = vector.broadcast %mul3A_349 : i32 to vector<16xi32>
      %add3A_553 = arith.addi %get3A_551, %add3A_552 : vector<16xi32>
      %swap3A_554 = arith.index_cast %scan3A_346 : i32 to index
      %swap3A_555 = arith.index_cast %mul3A_547 : i32 to index
      %swap3A_556 = tpu.vector_load %arg5[%swap3A_554, %swap3A_555] {strides = array<i32>} : memref<26x512xi32, #tpu.memory_space<vmem>>, vector<1x16xi32>,
      %swap3A_557 = vector.shape_cast %swap3A_556 : vector<1x16xi32> to vector<16xi32>
      %swap3A_558 = vector.shape_cast %add3A_553 : vector<16xi32> to vector<1x16xi32>
      tpu.vector_store %arg5[%swap3A_554, %swap3A_555], %swap3A_558 {strides = array<i32>} : memref<26x512xi32, #tpu.memory_space<vmem>>, vector<1x16xi32>,
      %scan3A_559 = arith.constant 0 : i32
      %scan3A_560 = arith.constant 14 : i32
      %mul3A_561 = arith.constant 16 : i32
      %mul3A_562 = arith.muli %scan3A_560, %mul3A_561 : i32
      %get3A_563 = arith.index_cast %scan3A_346 : i32 to index
      %get3A_564 = arith.index_cast %mul3A_562 : i32 to index
      %get3A_565 = tpu.vector_load %arg5[%get3A_563, %get3A_564] {strides = array<i32>} : memref<26x512xi32, #tpu.memory_space<vmem>>, vector<1x16xi32>,
      %get3A_566 = vector.shape_cast %get3A_565 : vector<1x16xi32> to vector<16xi32>
      %add3A_567 = vector.broadcast %mul3A_349 : i32 to vector<16xi32>
      %add3A_568 = arith.addi %get3A_566, %add3A_567 : vector<16xi32>
      %swap3A_569 = arith.index_cast %scan3A_346 : i32 to index
      %swap3A_570 = arith.index_cast %mul3A_562 : i32 to index
      %swap3A_571 = tpu.vector_load %arg5[%swap3A_569, %swap3A_570] {strides = array<i32>} : memref<26x512xi32, #tpu.memory_space<vmem>>, vector<1x16xi32>,
      %swap3A_572 = vector.shape_cast %swap3A_571 : vector<1x16xi32> to vector<16xi32>
      %swap3A_573 = vector.shape_cast %add3A_568 : vector<16xi32> to vector<1x16xi32>
      tpu.vector_store %arg5[%swap3A_569, %swap3A_570], %swap3A_573 {strides = array<i32>} : memref<26x512xi32, #tpu.memory_space<vmem>>, vector<1x16xi32>,
      %scan3A_574 = arith.constant 0 : i32
      %scan3A_575 = arith.constant 15 : i32
      %mul3A_576 = arith.constant 16 : i32
      %mul3A_577 = arith.muli %scan3A_575, %mul3A_576 : i32
      %get3A_578 = arith.index_cast %scan3A_346 : i32 to index
      %get3A_579 = arith.index_cast %mul3A_577 : i32 to index
      %get3A_580 = tpu.vector_load %arg5[%get3A_578, %get3A_579] {strides = array<i32>} : memref<26x512xi32, #tpu.memory_space<vmem>>, vector<1x16xi32>,
      %get3A_581 = vector.shape_cast %get3A_580 : vector<1x16xi32> to vector<16xi32>
      %add3A_582 = vector.broadcast %mul3A_349 : i32 to vector<16xi32>
      %add3A_583 = arith.addi %get3A_581, %add3A_582 : vector<16xi32>
      %swap3A_584 = arith.index_cast %scan3A_346 : i32 to index
      %swap3A_585 = arith.index_cast %mul3A_577 : i32 to index
      %swap3A_586 = tpu.vector_load %arg5[%swap3A_584, %swap3A_585] {strides = array<i32>} : memref<26x512xi32, #tpu.memory_space<vmem>>, vector<1x16xi32>,
      %swap3A_587 = vector.shape_cast %swap3A_586 : vector<1x16xi32> to vector<16xi32>
      %swap3A_588 = vector.shape_cast %add3A_583 : vector<16xi32> to vector<1x16xi32>
      tpu.vector_store %arg5[%swap3A_584, %swap3A_585], %swap3A_588 {strides = array<i32>} : memref<26x512xi32, #tpu.memory_space<vmem>>, vector<1x16xi32>,
      %scan3A_589 = arith.constant 0 : i32
      %scan3A_590 = arith.constant 16 : i32
      %mul3A_591 = arith.constant 16 : i32
      %mul3A_592 = arith.muli %scan3A_590, %mul3A_591 : i32
      %get3A_593 = arith.index_cast %scan3A_346 : i32 to index
      %get3A_594 = arith.index_cast %mul3A_592 : i32 to index
      %get3A_595 = tpu.vector_load %arg5[%get3A_593, %get3A_594] {strides = array<i32>} : memref<26x512xi32, #tpu.memory_space<vmem>>, vector<1x16xi32>,
      %get3A_596 = vector.shape_cast %get3A_595 : vector<1x16xi32> to vector<16xi32>
      %add3A_597 = vector.broadcast %mul3A_349 : i32 to vector<16xi32>
      %add3A_598 = arith.addi %get3A_596, %add3A_597 : vector<16xi32>
      %swap3A_599 = arith.index_cast %scan3A_346 : i32 to index
      %swap3A_600 = arith.index_cast %mul3A_592 : i32 to index
      %swap3A_601 = tpu.vector_load %arg5[%swap3A_599, %swap3A_600] {strides = array<i32>} : memref<26x512xi32, #tpu.memory_space<vmem>>, vector<1x16xi32>,
      %swap3A_602 = vector.shape_cast %swap3A_601 : vector<1x16xi32> to vector<16xi32>
      %swap3A_603 = vector.shape_cast %add3A_598 : vector<16xi32> to vector<1x16xi32>
      tpu.vector_store %arg5[%swap3A_599, %swap3A_600], %swap3A_603 {strides = array<i32>} : memref<26x512xi32, #tpu.memory_space<vmem>>, vector<1x16xi32>,
      %scan3A_604 = arith.constant 0 : i32
      %scan3A_605 = arith.constant 17 : i32
      %mul3A_606 = arith.constant 16 : i32
      %mul3A_607 = arith.muli %scan3A_605, %mul3A_606 : i32
      %get3A_608 = arith.index_cast %scan3A_346 : i32 to index
      %get3A_609 = arith.index_cast %mul3A_607 : i32 to index
      %get3A_610 = tpu.vector_load %arg5[%get3A_608, %get3A_609] {strides = array<i32>} : memref<26x512xi32, #tpu.memory_space<vmem>>, vector<1x16xi32>,
      %get3A_611 = vector.shape_cast %get3A_610 : vector<1x16xi32> to vector<16xi32>
      %add3A_612 = vector.broadcast %mul3A_349 : i32 to vector<16xi32>
      %add3A_613 = arith.addi %get3A_611, %add3A_612 : vector<16xi32>
      %swap3A_614 = arith.index_cast %scan3A_346 : i32 to index
      %swap3A_615 = arith.index_cast %mul3A_607 : i32 to index
      %swap3A_616 = tpu.vector_load %arg5[%swap3A_614, %swap3A_615] {strides = array<i32>} : memref<26x512xi32, #tpu.memory_space<vmem>>, vector<1x16xi32>,
      %swap3A_617 = vector.shape_cast %swap3A_616 : vector<1x16xi32> to vector<16xi32>
      %swap3A_618 = vector.shape_cast %add3A_613 : vector<16xi32> to vector<1x16xi32>
      tpu.vector_store %arg5[%swap3A_614, %swap3A_615], %swap3A_618 {strides = array<i32>} : memref<26x512xi32, #tpu.memory_space<vmem>>, vector<1x16xi32>,
      %scan3A_619 = arith.constant 0 : i32
      %scan3A_620 = arith.constant 18 : i32
      %mul3A_621 = arith.constant 16 : i32
      %mul3A_622 = arith.muli %scan3A_620, %mul3A_621 : i32
      %get3A_623 = arith.index_cast %scan3A_346 : i32 to index
      %get3A_624 = arith.index_cast %mul3A_622 : i32 to index
      %get3A_625 = tpu.vector_load %arg5[%get3A_623, %get3A_624] {strides = array<i32>} : memref<26x512xi32, #tpu.memory_space<vmem>>, vector<1x16xi32>,
      %get3A_626 = vector.shape_cast %get3A_625 : vector<1x16xi32> to vector<16xi32>
      %add3A_627 = vector.broadcast %mul3A_349 : i32 to vector<16xi32>
      %add3A_628 = arith.addi %get3A_626, %add3A_627 : vector<16xi32>
      %swap3A_629 = arith.index_cast %scan3A_346 : i32 to index
      %swap3A_630 = arith.index_cast %mul3A_622 : i32 to index
      %swap3A_631 = tpu.vector_load %arg5[%swap3A_629, %swap3A_630] {strides = array<i32>} : memref<26x512xi32, #tpu.memory_space<vmem>>, vector<1x16xi32>,
      %swap3A_632 = vector.shape_cast %swap3A_631 : vector<1x16xi32> to vector<16xi32>
      %swap3A_633 = vector.shape_cast %add3A_628 : vector<16xi32> to vector<1x16xi32>
      tpu.vector_store %arg5[%swap3A_629, %swap3A_630], %swap3A_633 {strides = array<i32>} : memref<26x512xi32, #tpu.memory_space<vmem>>, vector<1x16xi32>,
      %scan3A_634 = arith.constant 0 : i32
      %scan3A_635 = arith.constant 19 : i32
      %mul3A_636 = arith.constant 16 : i32
      %mul3A_637 = arith.muli %scan3A_635, %mul3A_636 : i32
      %get3A_638 = arith.index_cast %scan3A_346 : i32 to index
      %get3A_639 = arith.index_cast %mul3A_637 : i32 to index
      %get3A_640 = tpu.vector_load %arg5[%get3A_638, %get3A_639] {strides = array<i32>} : memref<26x512xi32, #tpu.memory_space<vmem>>, vector<1x16xi32>,
      %get3A_641 = vector.shape_cast %get3A_640 : vector<1x16xi32> to vector<16xi32>
      %add3A_642 = vector.broadcast %mul3A_349 : i32 to vector<16xi32>
      %add3A_643 = arith.addi %get3A_641, %add3A_642 : vector<16xi32>
      %swap3A_644 = arith.index_cast %scan3A_346 : i32 to index
      %swap3A_645 = arith.index_cast %mul3A_637 : i32 to index
      %swap3A_646 = tpu.vector_load %arg5[%swap3A_644, %swap3A_645] {strides = array<i32>} : memref<26x512xi32, #tpu.memory_space<vmem>>, vector<1x16xi32>,
      %swap3A_647 = vector.shape_cast %swap3A_646 : vector<1x16xi32> to vector<16xi32>
      %swap3A_648 = vector.shape_cast %add3A_643 : vector<16xi32> to vector<1x16xi32>
      tpu.vector_store %arg5[%swap3A_644, %swap3A_645], %swap3A_648 {strides = array<i32>} : memref<26x512xi32, #tpu.memory_space<vmem>>, vector<1x16xi32>,
      %scan3A_649 = arith.constant 0 : i32
      %scan3A_650 = arith.constant 20 : i32
      %mul3A_651 = arith.constant 16 : i32
      %mul3A_652 = arith.muli %scan3A_650, %mul3A_651 : i32
      %get3A_653 = arith.index_cast %scan3A_346 : i32 to index
      %get3A_654 = arith.index_cast %mul3A_652 : i32 to index
      %get3A_655 = tpu.vector_load %arg5[%get3A_653, %get3A_654] {strides = array<i32>} : memref<26x512xi32, #tpu.memory_space<vmem>>, vector<1x16xi32>,
      %get3A_656 = vector.shape_cast %get3A_655 : vector<1x16xi32> to vector<16xi32>
      %add3A_657 = vector.broadcast %mul3A_349 : i32 to vector<16xi32>
      %add3A_658 = arith.addi %get3A_656, %add3A_657 : vector<16xi32>
      %swap3A_659 = arith.index_cast %scan3A_346 : i32 to index
      %swap3A_660 = arith.index_cast %mul3A_652 : i32 to index
      %swap3A_661 = tpu.vector_load %arg5[%swap3A_659, %swap3A_660] {strides = array<i32>} : memref<26x512xi32, #tpu.memory_space<vmem>>, vector<1x16xi32>,
      %swap3A_662 = vector.shape_cast %swap3A_661 : vector<1x16xi32> to vector<16xi32>
      %swap3A_663 = vector.shape_cast %add3A_658 : vector<16xi32> to vector<1x16xi32>
      tpu.vector_store %arg5[%swap3A_659, %swap3A_660], %swap3A_663 {strides = array<i32>} : memref<26x512xi32, #tpu.memory_space<vmem>>, vector<1x16xi32>,
      %scan3A_664 = arith.constant 0 : i32
      %scan3A_665 = arith.constant 21 : i32
      %mul3A_666 = arith.constant 16 : i32
      %mul3A_667 = arith.muli %scan3A_665, %mul3A_666 : i32
      %get3A_668 = arith.index_cast %scan3A_346 : i32 to index
      %get3A_669 = arith.index_cast %mul3A_667 : i32 to index
      %get3A_670 = tpu.vector_load %arg5[%get3A_668, %get3A_669] {strides = array<i32>} : memref<26x512xi32, #tpu.memory_space<vmem>>, vector<1x16xi32>,
      %get3A_671 = vector.shape_cast %get3A_670 : vector<1x16xi32> to vector<16xi32>
      %add3A_672 = vector.broadcast %mul3A_349 : i32 to vector<16xi32>
      %add3A_673 = arith.addi %get3A_671, %add3A_672 : vector<16xi32>
      %swap3A_674 = arith.index_cast %scan3A_346 : i32 to index
      %swap3A_675 = arith.index_cast %mul3A_667 : i32 to index
      %swap3A_676 = tpu.vector_load %arg5[%swap3A_674, %swap3A_675] {strides = array<i32>} : memref<26x512xi32, #tpu.memory_space<vmem>>, vector<1x16xi32>,
      %swap3A_677 = vector.shape_cast %swap3A_676 : vector<1x16xi32> to vector<16xi32>
      %swap3A_678 = vector.shape_cast %add3A_673 : vector<16xi32> to vector<1x16xi32>
      tpu.vector_store %arg5[%swap3A_674, %swap3A_675], %swap3A_678 {strides = array<i32>} : memref<26x512xi32, #tpu.memory_space<vmem>>, vector<1x16xi32>,
      %scan3A_679 = arith.constant 0 : i32
      %scan3A_680 = arith.constant 22 : i32
      %mul3A_681 = arith.constant 16 : i32
      %mul3A_682 = arith.muli %scan3A_680, %mul3A_681 : i32
      %get3A_683 = arith.index_cast %scan3A_346 : i32 to index
      %get3A_684 = arith.index_cast %mul3A_682 : i32 to index
      %get3A_685 = tpu.vector_load %arg5[%get3A_683, %get3A_684] {strides = array<i32>} : memref<26x512xi32, #tpu.memory_space<vmem>>, vector<1x16xi32>,
      %get3A_686 = vector.shape_cast %get3A_685 : vector<1x16xi32> to vector<16xi32>
      %add3A_687 = vector.broadcast %mul3A_349 : i32 to vector<16xi32>
      %add3A_688 = arith.addi %get3A_686, %add3A_687 : vector<16xi32>
      %swap3A_689 = arith.index_cast %scan3A_346 : i32 to index
      %swap3A_690 = arith.index_cast %mul3A_682 : i32 to index
      %swap3A_691 = tpu.vector_load %arg5[%swap3A_689, %swap3A_690] {strides = array<i32>} : memref<26x512xi32, #tpu.memory_space<vmem>>, vector<1x16xi32>,
      %swap3A_692 = vector.shape_cast %swap3A_691 : vector<1x16xi32> to vector<16xi32>
      %swap3A_693 = vector.shape_cast %add3A_688 : vector<16xi32> to vector<1x16xi32>
      tpu.vector_store %arg5[%swap3A_689, %swap3A_690], %swap3A_693 {strides = array<i32>} : memref<26x512xi32, #tpu.memory_space<vmem>>, vector<1x16xi32>,
      %scan3A_694 = arith.constant 0 : i32
      %scan3A_695 = arith.constant 23 : i32
      %mul3A_696 = arith.constant 16 : i32
      %mul3A_697 = arith.muli %scan3A_695, %mul3A_696 : i32
      %get3A_698 = arith.index_cast %scan3A_346 : i32 to index
      %get3A_699 = arith.index_cast %mul3A_697 : i32 to index
      %get3A_700 = tpu.vector_load %arg5[%get3A_698, %get3A_699] {strides = array<i32>} : memref<26x512xi32, #tpu.memory_space<vmem>>, vector<1x16xi32>,
      %get3A_701 = vector.shape_cast %get3A_700 : vector<1x16xi32> to vector<16xi32>
      %add3A_702 = vector.broadcast %mul3A_349 : i32 to vector<16xi32>
      %add3A_703 = arith.addi %get3A_701, %add3A_702 : vector<16xi32>
      %swap3A_704 = arith.index_cast %scan3A_346 : i32 to index
      %swap3A_705 = arith.index_cast %mul3A_697 : i32 to index
      %swap3A_706 = tpu.vector_load %arg5[%swap3A_704, %swap3A_705] {strides = array<i32>} : memref<26x512xi32, #tpu.memory_space<vmem>>, vector<1x16xi32>,
      %swap3A_707 = vector.shape_cast %swap3A_706 : vector<1x16xi32> to vector<16xi32>
      %swap3A_708 = vector.shape_cast %add3A_703 : vector<16xi32> to vector<1x16xi32>
      tpu.vector_store %arg5[%swap3A_704, %swap3A_705], %swap3A_708 {strides = array<i32>} : memref<26x512xi32, #tpu.memory_space<vmem>>, vector<1x16xi32>,
      %scan3A_709 = arith.constant 0 : i32
      %scan3A_710 = arith.constant 24 : i32
      %mul3A_711 = arith.constant 16 : i32
      %mul3A_712 = arith.muli %scan3A_710, %mul3A_711 : i32
      %get3A_713 = arith.index_cast %scan3A_346 : i32 to index
      %get3A_714 = arith.index_cast %mul3A_712 : i32 to index
      %get3A_715 = tpu.vector_load %arg5[%get3A_713, %get3A_714] {strides = array<i32>} : memref<26x512xi32, #tpu.memory_space<vmem>>, vector<1x16xi32>,
      %get3A_716 = vector.shape_cast %get3A_715 : vector<1x16xi32> to vector<16xi32>
      %add3A_717 = vector.broadcast %mul3A_349 : i32 to vector<16xi32>
      %add3A_718 = arith.addi %get3A_716, %add3A_717 : vector<16xi32>
      %swap3A_719 = arith.index_cast %scan3A_346 : i32 to index
      %swap3A_720 = arith.index_cast %mul3A_712 : i32 to index
      %swap3A_721 = tpu.vector_load %arg5[%swap3A_719, %swap3A_720] {strides = array<i32>} : memref<26x512xi32, #tpu.memory_space<vmem>>, vector<1x16xi32>,
      %swap3A_722 = vector.shape_cast %swap3A_721 : vector<1x16xi32> to vector<16xi32>
      %swap3A_723 = vector.shape_cast %add3A_718 : vector<16xi32> to vector<1x16xi32>
      tpu.vector_store %arg5[%swap3A_719, %swap3A_720], %swap3A_723 {strides = array<i32>} : memref<26x512xi32, #tpu.memory_space<vmem>>, vector<1x16xi32>,
      %scan3A_724 = arith.constant 0 : i32
      %scan3A_725 = arith.constant 25 : i32
      %mul3A_726 = arith.constant 16 : i32
      %mul3A_727 = arith.muli %scan3A_725, %mul3A_726 : i32
      %get3A_728 = arith.index_cast %scan3A_346 : i32 to index
      %get3A_729 = arith.index_cast %mul3A_727 : i32 to index
      %get3A_730 = tpu.vector_load %arg5[%get3A_728, %get3A_729] {strides = array<i32>} : memref<26x512xi32, #tpu.memory_space<vmem>>, vector<1x16xi32>,
      %get3A_731 = vector.shape_cast %get3A_730 : vector<1x16xi32> to vector<16xi32>
      %add3A_732 = vector.broadcast %mul3A_349 : i32 to vector<16xi32>
      %add3A_733 = arith.addi %get3A_731, %add3A_732 : vector<16xi32>
      %swap3A_734 = arith.index_cast %scan3A_346 : i32 to index
      %swap3A_735 = arith.index_cast %mul3A_727 : i32 to index
      %swap3A_736 = tpu.vector_load %arg5[%swap3A_734, %swap3A_735] {strides = array<i32>} : memref<26x512xi32, #tpu.memory_space<vmem>>, vector<1x16xi32>,
      %swap3A_737 = vector.shape_cast %swap3A_736 : vector<1x16xi32> to vector<16xi32>
      %swap3A_738 = vector.shape_cast %add3A_733 : vector<16xi32> to vector<1x16xi32>
      tpu.vector_store %arg5[%swap3A_734, %swap3A_735], %swap3A_738 {strides = array<i32>} : memref<26x512xi32, #tpu.memory_space<vmem>>, vector<1x16xi32>,
      %scan3A_739 = arith.constant 0 : i32
      %scan3A_740 = arith.constant 26 : i32
      %mul3A_741 = arith.constant 16 : i32
      %mul3A_742 = arith.muli %scan3A_740, %mul3A_741 : i32
      %get3A_743 = arith.index_cast %scan3A_346 : i32 to index
      %get3A_744 = arith.index_cast %mul3A_742 : i32 to index
      %get3A_745 = tpu.vector_load %arg5[%get3A_743, %get3A_744] {strides = array<i32>} : memref<26x512xi32, #tpu.memory_space<vmem>>, vector<1x16xi32>,
      %get3A_746 = vector.shape_cast %get3A_745 : vector<1x16xi32> to vector<16xi32>
      %add3A_747 = vector.broadcast %mul3A_349 : i32 to vector<16xi32>
      %add3A_748 = arith.addi %get3A_746, %add3A_747 : vector<16xi32>
      %swap3A_749 = arith.index_cast %scan3A_346 : i32 to index
      %swap3A_750 = arith.index_cast %mul3A_742 : i32 to index
      %swap3A_751 = tpu.vector_load %arg5[%swap3A_749, %swap3A_750] {strides = array<i32>} : memref<26x512xi32, #tpu.memory_space<vmem>>, vector<1x16xi32>,
      %swap3A_752 = vector.shape_cast %swap3A_751 : vector<1x16xi32> to vector<16xi32>
      %swap3A_753 = vector.shape_cast %add3A_748 : vector<16xi32> to vector<1x16xi32>
      tpu.vector_store %arg5[%swap3A_749, %swap3A_750], %swap3A_753 {strides = array<i32>} : memref<26x512xi32, #tpu.memory_space<vmem>>, vector<1x16xi32>,
      %scan3A_754 = arith.constant 0 : i32
      %scan3A_755 = arith.constant 27 : i32
      %mul3A_756 = arith.constant 16 : i32
      %mul3A_757 = arith.muli %scan3A_755, %mul3A_756 : i32
      %get3A_758 = arith.index_cast %scan3A_346 : i32 to index
      %get3A_759 = arith.index_cast %mul3A_757 : i32 to index
      %get3A_760 = tpu.vector_load %arg5[%get3A_758, %get3A_759] {strides = array<i32>} : memref<26x512xi32, #tpu.memory_space<vmem>>, vector<1x16xi32>,
      %get3A_761 = vector.shape_cast %get3A_760 : vector<1x16xi32> to vector<16xi32>
      %add3A_762 = vector.broadcast %mul3A_349 : i32 to vector<16xi32>
      %add3A_763 = arith.addi %get3A_761, %add3A_762 : vector<16xi32>
      %swap3A_764 = arith.index_cast %scan3A_346 : i32 to index
      %swap3A_765 = arith.index_cast %mul3A_757 : i32 to index
      %swap3A_766 = tpu.vector_load %arg5[%swap3A_764, %swap3A_765] {strides = array<i32>} : memref<26x512xi32, #tpu.memory_space<vmem>>, vector<1x16xi32>,
      %swap3A_767 = vector.shape_cast %swap3A_766 : vector<1x16xi32> to vector<16xi32>
      %swap3A_768 = vector.shape_cast %add3A_763 : vector<16xi32> to vector<1x16xi32>
      tpu.vector_store %arg5[%swap3A_764, %swap3A_765], %swap3A_768 {strides = array<i32>} : memref<26x512xi32, #tpu.memory_space<vmem>>, vector<1x16xi32>,
      %scan3A_769 = arith.constant 0 : i32
      %scan3A_770 = arith.constant 28 : i32
      %mul3A_771 = arith.constant 16 : i32
      %mul3A_772 = arith.muli %scan3A_770, %mul3A_771 : i32
      %get3A_773 = arith.index_cast %scan3A_346 : i32 to index
      %get3A_774 = arith.index_cast %mul3A_772 : i32 to index
      %get3A_775 = tpu.vector_load %arg5[%get3A_773, %get3A_774] {strides = array<i32>} : memref<26x512xi32, #tpu.memory_space<vmem>>, vector<1x16xi32>,
      %get3A_776 = vector.shape_cast %get3A_775 : vector<1x16xi32> to vector<16xi32>
      %add3A_777 = vector.broadcast %mul3A_349 : i32 to vector<16xi32>
      %add3A_778 = arith.addi %get3A_776, %add3A_777 : vector<16xi32>
      %swap3A_779 = arith.index_cast %scan3A_346 : i32 to index
      %swap3A_780 = arith.index_cast %mul3A_772 : i32 to index
      %swap3A_781 = tpu.vector_load %arg5[%swap3A_779, %swap3A_780] {strides = array<i32>} : memref<26x512xi32, #tpu.memory_space<vmem>>, vector<1x16xi32>,
      %swap3A_782 = vector.shape_cast %swap3A_781 : vector<1x16xi32> to vector<16xi32>
      %swap3A_783 = vector.shape_cast %add3A_778 : vector<16xi32> to vector<1x16xi32>
      tpu.vector_store %arg5[%swap3A_779, %swap3A_780], %swap3A_783 {strides = array<i32>} : memref<26x512xi32, #tpu.memory_space<vmem>>, vector<1x16xi32>,
      %scan3A_784 = arith.constant 0 : i32
      %scan3A_785 = arith.constant 29 : i32
      %mul3A_786 = arith.constant 16 : i32
      %mul3A_787 = arith.muli %scan3A_785, %mul3A_786 : i32
      %get3A_788 = arith.index_cast %scan3A_346 : i32 to index
      %get3A_789 = arith.index_cast %mul3A_787 : i32 to index
      %get3A_790 = tpu.vector_load %arg5[%get3A_788, %get3A_789] {strides = array<i32>} : memref<26x512xi32, #tpu.memory_space<vmem>>, vector<1x16xi32>,
      %get3A_791 = vector.shape_cast %get3A_790 : vector<1x16xi32> to vector<16xi32>
      %add3A_792 = vector.broadcast %mul3A_349 : i32 to vector<16xi32>
      %add3A_793 = arith.addi %get3A_791, %add3A_792 : vector<16xi32>
      %swap3A_794 = arith.index_cast %scan3A_346 : i32 to index
      %swap3A_795 = arith.index_cast %mul3A_787 : i32 to index
      %swap3A_796 = tpu.vector_load %arg5[%swap3A_794, %swap3A_795] {strides = array<i32>} : memref<26x512xi32, #tpu.memory_space<vmem>>, vector<1x16xi32>,
      %swap3A_797 = vector.shape_cast %swap3A_796 : vector<1x16xi32> to vector<16xi32>
      %swap3A_798 = vector.shape_cast %add3A_793 : vector<16xi32> to vector<1x16xi32>
      tpu.vector_store %arg5[%swap3A_794, %swap3A_795], %swap3A_798 {strides = array<i32>} : memref<26x512xi32, #tpu.memory_space<vmem>>, vector<1x16xi32>,
      %scan3A_799 = arith.constant 0 : i32
      %scan3A_800 = arith.constant 30 : i32
      %mul3A_801 = arith.constant 16 : i32
      %mul3A_802 = arith.muli %scan3A_800, %mul3A_801 : i32
      %get3A_803 = arith.index_cast %scan3A_346 : i32 to index
      %get3A_804 = arith.index_cast %mul3A_802 : i32 to index
      %get3A_805 = tpu.vector_load %arg5[%get3A_803, %get3A_804] {strides = array<i32>} : memref<26x512xi32, #tpu.memory_space<vmem>>, vector<1x16xi32>,
      %get3A_806 = vector.shape_cast %get3A_805 : vector<1x16xi32> to vector<16xi32>
      %add3A_807 = vector.broadcast %mul3A_349 : i32 to vector<16xi32>
      %add3A_808 = arith.addi %get3A_806, %add3A_807 : vector<16xi32>
      %swap3A_809 = arith.index_cast %scan3A_346 : i32 to index
      %swap3A_810 = arith.index_cast %mul3A_802 : i32 to index
      %swap3A_811 = tpu.vector_load %arg5[%swap3A_809, %swap3A_810] {strides = array<i32>} : memref<26x512xi32, #tpu.memory_space<vmem>>, vector<1x16xi32>,
      %swap3A_812 = vector.shape_cast %swap3A_811 : vector<1x16xi32> to vector<16xi32>
      %swap3A_813 = vector.shape_cast %add3A_808 : vector<16xi32> to vector<1x16xi32>
      tpu.vector_store %arg5[%swap3A_809, %swap3A_810], %swap3A_813 {strides = array<i32>} : memref<26x512xi32, #tpu.memory_space<vmem>>, vector<1x16xi32>,
      %scan3A_814 = arith.constant 0 : i32
      %scan3A_815 = arith.constant 31 : i32
      %mul3A_816 = arith.constant 16 : i32
      %mul3A_817 = arith.muli %scan3A_815, %mul3A_816 : i32
      %get3A_818 = arith.index_cast %scan3A_346 : i32 to index
      %get3A_819 = arith.index_cast %mul3A_817 : i32 to index
      %get3A_820 = tpu.vector_load %arg5[%get3A_818, %get3A_819] {strides = array<i32>} : memref<26x512xi32, #tpu.memory_space<vmem>>, vector<1x16xi32>,
      %get3A_821 = vector.shape_cast %get3A_820 : vector<1x16xi32> to vector<16xi32>
      %add3A_822 = vector.broadcast %mul3A_349 : i32 to vector<16xi32>
      %add3A_823 = arith.addi %get3A_821, %add3A_822 : vector<16xi32>
      %swap3A_824 = arith.index_cast %scan3A_346 : i32 to index
      %swap3A_825 = arith.index_cast %mul3A_817 : i32 to index
      %swap3A_826 = tpu.vector_load %arg5[%swap3A_824, %swap3A_825] {strides = array<i32>} : memref<26x512xi32, #tpu.memory_space<vmem>>, vector<1x16xi32>,
      %swap3A_827 = vector.shape_cast %swap3A_826 : vector<1x16xi32> to vector<16xi32>
      %swap3A_828 = vector.shape_cast %add3A_823 : vector<16xi32> to vector<1x16xi32>
      tpu.vector_store %arg5[%swap3A_824, %swap3A_825], %swap3A_828 {strides = array<i32>} : memref<26x512xi32, #tpu.memory_space<vmem>>, vector<1x16xi32>,
      %scan3A_829 = arith.constant 0 : i32
      %scan3A_830 = arith.constant 32 : i32
      %scan3A_831 = arith.constant 0 : i32
      scf.yield %scan3A_831 : i32
    }
    %scan3A_8 = arith.constant 26 : i32
    %scan3A_9 = arith.constant 0 : i32
    %scan3A_10 = arith.constant 0 : i32
    %scan3A_11 = arith.constant 104 : i32
    %scan3A_12 = arith.addi %scan3A_10, %scan3A_11 : i32
    %scan3A_13 = arith.constant 1 : i32
    %scan3A_14 = scf.for %scan3A_346 = %scan3A_10 to %scan3A_12 step %scan3A_13 iter_args(%scan3A_347 = %scan3A_9) -> (i32)  : i32 {
      %jit3A = arith.constant 4 : i32
      %div3A = arith.divsi %scan3A_346, %jit3A : i32
      %sign3A = arith.constant 0 : i32
      %sign3A_348 = arith.cmpi sgt, %scan3A_346, %sign3A : i32
      %sign3A_349 = arith.extui %sign3A_348 : i1 to i32
      %sign3A_350 = arith.constant 0 : i32
      %sign3A_351 = arith.cmpi slt, %scan3A_346, %sign3A_350 : i32
      %sign3A_352 = arith.extui %sign3A_351 : i1 to i32
      %sign3A_353 = arith.subi %sign3A_349, %sign3A_352 : i32
      %sign3A_354 = arith.constant 0 : i32
      %sign3A_355 = arith.cmpi sgt, %jit3A, %sign3A_354 : i32
      %sign3A_356 = arith.extui %sign3A_355 : i1 to i32
      %sign3A_357 = arith.constant 0 : i32
      %sign3A_358 = arith.cmpi slt, %jit3A, %sign3A_357 : i32
      %sign3A_359 = arith.extui %sign3A_358 : i1 to i32
      %sign3A_360 = arith.subi %sign3A_356, %sign3A_359 : i32
      %ne3A = arith.cmpi ne, %sign3A_353, %sign3A_360 : i32
      %rem3A = arith.remsi %scan3A_346, %jit3A : i32
      %ne3A_361 = arith.constant 0 : i32
      %ne3A_362 = arith.cmpi ne, %rem3A, %ne3A_361 : i32
      %and3A = arith.andi %ne3A, %ne3A_362 : i1
      %sub3A = arith.constant 1 : i32
      %sub3A_363 = arith.subi %div3A, %sub3A : i32
      %select_n3A = arith.select %and3A, %sub3A_363, %div3A : i32
      %mul3A_364 = arith.constant 4 : i32
      %mul3A_365 = arith.muli %select_n3A, %mul3A_364 : i32
      %sub3A_366 = arith.subi %scan3A_346, %mul3A_365 : i32
      %mul3A_367 = arith.constant 128 : i32
      %mul3A_368 = arith.muli %sub3A_366, %mul3A_367 : i32
      %mul3A_369 = arith.constant 128 : i32
      %mul3A_370 = arith.muli %scan3A_346, %mul3A_369 : i32
      %dma_start3A = tpu.memref_slice %arg6[%mul3A_370] : memref<13312xf32, #tpu.memory_space<vmem>> -> memref<128xf32, #tpu.memory_space<vmem>>
      %dma_start3A_371 = tpu.memref_slice %arg5[%select_n3A, %mul3A_368] : memref<26x512xi32, #tpu.memory_space<vmem>> -> memref<1x128xi32, #tpu.memory_space<vmem>>
      %dma_start3A_372 = tpu.memref_squeeze %dma_start3A_371 : memref<1x128xi32, #tpu.memory_space<vmem>> -> memref<128xi32, #tpu.memory_space<vmem>>
      %dma_start3A_373 = arith.constant 0 : i32
      %dma_start3A_374 = tpu.memref_slice %arg3[%dma_start3A_373] : memref<26000000xf32, #tpu.memory_space<hbm>> -> memref<26000000xf32, #tpu.memory_space<hbm>>
      tpu.enqueue_indirect_dma source(%dma_start3A_374 : memref<26000000xf32, #tpu.memory_space<hbm>>) target(%dma_start3A : memref<128xf32, #tpu.memory_space<vmem>>) offsets(%dma_start3A_372 : memref<128xi32, #tpu.memory_space<vmem>>) semaphore(%arg8 : memref<!tpu.dma_semaphore, #tpu.memory_space<semaphore_mem>>)
      %scan3A_375 = arith.constant 0 : i32
      scf.yield %scan3A_375 : i32
    }
    %scan3A_15 = arith.constant 104 : i32
    %dma_wait3A = arith.constant 0 : i32
    %dma_wait3A_16 = tpu.memref_slice %arg3[%dma_wait3A] : memref<26000000xf32, #tpu.memory_space<hbm>> -> memref<13312xf32, #tpu.memory_space<hbm>>
    %dma_wait3A_17 = arith.constant 0 : i32
    %dma_wait3A_18 = tpu.memref_slice %arg3[%dma_wait3A_17] : memref<26000000xf32, #tpu.memory_space<hbm>> -> memref<13312xf32, #tpu.memory_space<hbm>>
    tpu.wait_dma2 semaphore(%arg8 : memref<!tpu.dma_semaphore, #tpu.memory_space<semaphore_mem>>) src(%dma_wait3A_18 : memref<13312xf32, #tpu.memory_space<hbm>>) dst(%arg6 : memref<13312xf32, #tpu.memory_space<vmem>>)
    %scan3A_19 = arith.constant 0 : i32
    %scan3A_20 = arith.constant 0 : i32
    %broadcast_in_dim3A = arith.constant 0.000000e+00 : f32
    %broadcast_in_dim3A_21 = vector.broadcast %broadcast_in_dim3A : f32 to vector<16xf32>
    %mul3A_22 = arith.constant 16 : i32
    %mul3A_23 = arith.muli %scan3A_20, %mul3A_22 : i32
    %swap3A = arith.index_cast %mul3A_23 : i32 to index
    %swap3A_24 = tpu.vector_load %arg7[%swap3A] {strides = array<i32>} : memref<512xf32, #tpu.memory_space<vmem>>, vector<16xf32>,
    %swap3A_25 = vector.shape_cast %swap3A_24 : vector<16xf32> to vector<16xf32>
    %swap3A_26 = vector.shape_cast %broadcast_in_dim3A_21 : vector<16xf32> to vector<16xf32>
    tpu.vector_store %arg7[%swap3A], %swap3A_26 {strides = array<i32>} : memref<512xf32, #tpu.memory_space<vmem>>, vector<16xf32>,
    %scan3A_27 = arith.constant 0 : i32
    %scan3A_28 = arith.constant 1 : i32
    %broadcast_in_dim3A_29 = arith.constant 0.000000e+00 : f32
    %broadcast_in_dim3A_30 = vector.broadcast %broadcast_in_dim3A_29 : f32 to vector<16xf32>
    %mul3A_31 = arith.constant 16 : i32
    %mul3A_32 = arith.muli %scan3A_28, %mul3A_31 : i32
    %swap3A_33 = arith.index_cast %mul3A_32 : i32 to index
    %swap3A_34 = tpu.vector_load %arg7[%swap3A_33] {strides = array<i32>} : memref<512xf32, #tpu.memory_space<vmem>>, vector<16xf32>,
    %swap3A_35 = vector.shape_cast %swap3A_34 : vector<16xf32> to vector<16xf32>
    %swap3A_36 = vector.shape_cast %broadcast_in_dim3A_30 : vector<16xf32> to vector<16xf32>
    tpu.vector_store %arg7[%swap3A_33], %swap3A_36 {strides = array<i32>} : memref<512xf32, #tpu.memory_space<vmem>>, vector<16xf32>,
    %scan3A_37 = arith.constant 0 : i32
    %scan3A_38 = arith.constant 2 : i32
    %broadcast_in_dim3A_39 = arith.constant 0.000000e+00 : f32
    %broadcast_in_dim3A_40 = vector.broadcast %broadcast_in_dim3A_39 : f32 to vector<16xf32>
    %mul3A_41 = arith.constant 16 : i32
    %mul3A_42 = arith.muli %scan3A_38, %mul3A_41 : i32
    %swap3A_43 = arith.index_cast %mul3A_42 : i32 to index
    %swap3A_44 = tpu.vector_load %arg7[%swap3A_43] {strides = array<i32>} : memref<512xf32, #tpu.memory_space<vmem>>, vector<16xf32>,
    %swap3A_45 = vector.shape_cast %swap3A_44 : vector<16xf32> to vector<16xf32>
    %swap3A_46 = vector.shape_cast %broadcast_in_dim3A_40 : vector<16xf32> to vector<16xf32>
    tpu.vector_store %arg7[%swap3A_43], %swap3A_46 {strides = array<i32>} : memref<512xf32, #tpu.memory_space<vmem>>, vector<16xf32>,
    %scan3A_47 = arith.constant 0 : i32
    %scan3A_48 = arith.constant 3 : i32
    %broadcast_in_dim3A_49 = arith.constant 0.000000e+00 : f32
    %broadcast_in_dim3A_50 = vector.broadcast %broadcast_in_dim3A_49 : f32 to vector<16xf32>
    %mul3A_51 = arith.constant 16 : i32
    %mul3A_52 = arith.muli %scan3A_48, %mul3A_51 : i32
    %swap3A_53 = arith.index_cast %mul3A_52 : i32 to index
    %swap3A_54 = tpu.vector_load %arg7[%swap3A_53] {strides = array<i32>} : memref<512xf32, #tpu.memory_space<vmem>>, vector<16xf32>,
    %swap3A_55 = vector.shape_cast %swap3A_54 : vector<16xf32> to vector<16xf32>
    %swap3A_56 = vector.shape_cast %broadcast_in_dim3A_50 : vector<16xf32> to vector<16xf32>
    tpu.vector_store %arg7[%swap3A_53], %swap3A_56 {strides = array<i32>} : memref<512xf32, #tpu.memory_space<vmem>>, vector<16xf32>,
    %scan3A_57 = arith.constant 0 : i32
    %scan3A_58 = arith.constant 4 : i32
    %broadcast_in_dim3A_59 = arith.constant 0.000000e+00 : f32
    %broadcast_in_dim3A_60 = vector.broadcast %broadcast_in_dim3A_59 : f32 to vector<16xf32>
    %mul3A_61 = arith.constant 16 : i32
    %mul3A_62 = arith.muli %scan3A_58, %mul3A_61 : i32
    %swap3A_63 = arith.index_cast %mul3A_62 : i32 to index
    %swap3A_64 = tpu.vector_load %arg7[%swap3A_63] {strides = array<i32>} : memref<512xf32, #tpu.memory_space<vmem>>, vector<16xf32>,
    %swap3A_65 = vector.shape_cast %swap3A_64 : vector<16xf32> to vector<16xf32>
    %swap3A_66 = vector.shape_cast %broadcast_in_dim3A_60 : vector<16xf32> to vector<16xf32>
    tpu.vector_store %arg7[%swap3A_63], %swap3A_66 {strides = array<i32>} : memref<512xf32, #tpu.memory_space<vmem>>, vector<16xf32>,
    %scan3A_67 = arith.constant 0 : i32
    %scan3A_68 = arith.constant 5 : i32
    %broadcast_in_dim3A_69 = arith.constant 0.000000e+00 : f32
    %broadcast_in_dim3A_70 = vector.broadcast %broadcast_in_dim3A_69 : f32 to vector<16xf32>
    %mul3A_71 = arith.constant 16 : i32
    %mul3A_72 = arith.muli %scan3A_68, %mul3A_71 : i32
    %swap3A_73 = arith.index_cast %mul3A_72 : i32 to index
    %swap3A_74 = tpu.vector_load %arg7[%swap3A_73] {strides = array<i32>} : memref<512xf32, #tpu.memory_space<vmem>>, vector<16xf32>,
    %swap3A_75 = vector.shape_cast %swap3A_74 : vector<16xf32> to vector<16xf32>
    %swap3A_76 = vector.shape_cast %broadcast_in_dim3A_70 : vector<16xf32> to vector<16xf32>
    tpu.vector_store %arg7[%swap3A_73], %swap3A_76 {strides = array<i32>} : memref<512xf32, #tpu.memory_space<vmem>>, vector<16xf32>,
    %scan3A_77 = arith.constant 0 : i32
    %scan3A_78 = arith.constant 6 : i32
    %broadcast_in_dim3A_79 = arith.constant 0.000000e+00 : f32
    %broadcast_in_dim3A_80 = vector.broadcast %broadcast_in_dim3A_79 : f32 to vector<16xf32>
    %mul3A_81 = arith.constant 16 : i32
    %mul3A_82 = arith.muli %scan3A_78, %mul3A_81 : i32
    %swap3A_83 = arith.index_cast %mul3A_82 : i32 to index
    %swap3A_84 = tpu.vector_load %arg7[%swap3A_83] {strides = array<i32>} : memref<512xf32, #tpu.memory_space<vmem>>, vector<16xf32>,
    %swap3A_85 = vector.shape_cast %swap3A_84 : vector<16xf32> to vector<16xf32>
    %swap3A_86 = vector.shape_cast %broadcast_in_dim3A_80 : vector<16xf32> to vector<16xf32>
    tpu.vector_store %arg7[%swap3A_83], %swap3A_86 {strides = array<i32>} : memref<512xf32, #tpu.memory_space<vmem>>, vector<16xf32>,
    %scan3A_87 = arith.constant 0 : i32
    %scan3A_88 = arith.constant 7 : i32
    %broadcast_in_dim3A_89 = arith.constant 0.000000e+00 : f32
    %broadcast_in_dim3A_90 = vector.broadcast %broadcast_in_dim3A_89 : f32 to vector<16xf32>
    %mul3A_91 = arith.constant 16 : i32
    %mul3A_92 = arith.muli %scan3A_88, %mul3A_91 : i32
    %swap3A_93 = arith.index_cast %mul3A_92 : i32 to index
    %swap3A_94 = tpu.vector_load %arg7[%swap3A_93] {strides = array<i32>} : memref<512xf32, #tpu.memory_space<vmem>>, vector<16xf32>,
    %swap3A_95 = vector.shape_cast %swap3A_94 : vector<16xf32> to vector<16xf32>
    %swap3A_96 = vector.shape_cast %broadcast_in_dim3A_90 : vector<16xf32> to vector<16xf32>
    tpu.vector_store %arg7[%swap3A_93], %swap3A_96 {strides = array<i32>} : memref<512xf32, #tpu.memory_space<vmem>>, vector<16xf32>,
    %scan3A_97 = arith.constant 0 : i32
    %scan3A_98 = arith.constant 8 : i32
    %broadcast_in_dim3A_99 = arith.constant 0.000000e+00 : f32
    %broadcast_in_dim3A_100 = vector.broadcast %broadcast_in_dim3A_99 : f32 to vector<16xf32>
    %mul3A_101 = arith.constant 16 : i32
    %mul3A_102 = arith.muli %scan3A_98, %mul3A_101 : i32
    %swap3A_103 = arith.index_cast %mul3A_102 : i32 to index
    %swap3A_104 = tpu.vector_load %arg7[%swap3A_103] {strides = array<i32>} : memref<512xf32, #tpu.memory_space<vmem>>, vector<16xf32>,
    %swap3A_105 = vector.shape_cast %swap3A_104 : vector<16xf32> to vector<16xf32>
    %swap3A_106 = vector.shape_cast %broadcast_in_dim3A_100 : vector<16xf32> to vector<16xf32>
    tpu.vector_store %arg7[%swap3A_103], %swap3A_106 {strides = array<i32>} : memref<512xf32, #tpu.memory_space<vmem>>, vector<16xf32>,
    %scan3A_107 = arith.constant 0 : i32
    %scan3A_108 = arith.constant 9 : i32
    %broadcast_in_dim3A_109 = arith.constant 0.000000e+00 : f32
    %broadcast_in_dim3A_110 = vector.broadcast %broadcast_in_dim3A_109 : f32 to vector<16xf32>
    %mul3A_111 = arith.constant 16 : i32
    %mul3A_112 = arith.muli %scan3A_108, %mul3A_111 : i32
    %swap3A_113 = arith.index_cast %mul3A_112 : i32 to index
    %swap3A_114 = tpu.vector_load %arg7[%swap3A_113] {strides = array<i32>} : memref<512xf32, #tpu.memory_space<vmem>>, vector<16xf32>,
    %swap3A_115 = vector.shape_cast %swap3A_114 : vector<16xf32> to vector<16xf32>
    %swap3A_116 = vector.shape_cast %broadcast_in_dim3A_110 : vector<16xf32> to vector<16xf32>
    tpu.vector_store %arg7[%swap3A_113], %swap3A_116 {strides = array<i32>} : memref<512xf32, #tpu.memory_space<vmem>>, vector<16xf32>,
    %scan3A_117 = arith.constant 0 : i32
    %scan3A_118 = arith.constant 10 : i32
    %broadcast_in_dim3A_119 = arith.constant 0.000000e+00 : f32
    %broadcast_in_dim3A_120 = vector.broadcast %broadcast_in_dim3A_119 : f32 to vector<16xf32>
    %mul3A_121 = arith.constant 16 : i32
    %mul3A_122 = arith.muli %scan3A_118, %mul3A_121 : i32
    %swap3A_123 = arith.index_cast %mul3A_122 : i32 to index
    %swap3A_124 = tpu.vector_load %arg7[%swap3A_123] {strides = array<i32>} : memref<512xf32, #tpu.memory_space<vmem>>, vector<16xf32>,
    %swap3A_125 = vector.shape_cast %swap3A_124 : vector<16xf32> to vector<16xf32>
    %swap3A_126 = vector.shape_cast %broadcast_in_dim3A_120 : vector<16xf32> to vector<16xf32>
    tpu.vector_store %arg7[%swap3A_123], %swap3A_126 {strides = array<i32>} : memref<512xf32, #tpu.memory_space<vmem>>, vector<16xf32>,
    %scan3A_127 = arith.constant 0 : i32
    %scan3A_128 = arith.constant 11 : i32
    %broadcast_in_dim3A_129 = arith.constant 0.000000e+00 : f32
    %broadcast_in_dim3A_130 = vector.broadcast %broadcast_in_dim3A_129 : f32 to vector<16xf32>
    %mul3A_131 = arith.constant 16 : i32
    %mul3A_132 = arith.muli %scan3A_128, %mul3A_131 : i32
    %swap3A_133 = arith.index_cast %mul3A_132 : i32 to index
    %swap3A_134 = tpu.vector_load %arg7[%swap3A_133] {strides = array<i32>} : memref<512xf32, #tpu.memory_space<vmem>>, vector<16xf32>,
    %swap3A_135 = vector.shape_cast %swap3A_134 : vector<16xf32> to vector<16xf32>
    %swap3A_136 = vector.shape_cast %broadcast_in_dim3A_130 : vector<16xf32> to vector<16xf32>
    tpu.vector_store %arg7[%swap3A_133], %swap3A_136 {strides = array<i32>} : memref<512xf32, #tpu.memory_space<vmem>>, vector<16xf32>,
    %scan3A_137 = arith.constant 0 : i32
    %scan3A_138 = arith.constant 12 : i32
    %broadcast_in_dim3A_139 = arith.constant 0.000000e+00 : f32
    %broadcast_in_dim3A_140 = vector.broadcast %broadcast_in_dim3A_139 : f32 to vector<16xf32>
    %mul3A_141 = arith.constant 16 : i32
    %mul3A_142 = arith.muli %scan3A_138, %mul3A_141 : i32
    %swap3A_143 = arith.index_cast %mul3A_142 : i32 to index
    %swap3A_144 = tpu.vector_load %arg7[%swap3A_143] {strides = array<i32>} : memref<512xf32, #tpu.memory_space<vmem>>, vector<16xf32>,
    %swap3A_145 = vector.shape_cast %swap3A_144 : vector<16xf32> to vector<16xf32>
    %swap3A_146 = vector.shape_cast %broadcast_in_dim3A_140 : vector<16xf32> to vector<16xf32>
    tpu.vector_store %arg7[%swap3A_143], %swap3A_146 {strides = array<i32>} : memref<512xf32, #tpu.memory_space<vmem>>, vector<16xf32>,
    %scan3A_147 = arith.constant 0 : i32
    %scan3A_148 = arith.constant 13 : i32
    %broadcast_in_dim3A_149 = arith.constant 0.000000e+00 : f32
    %broadcast_in_dim3A_150 = vector.broadcast %broadcast_in_dim3A_149 : f32 to vector<16xf32>
    %mul3A_151 = arith.constant 16 : i32
    %mul3A_152 = arith.muli %scan3A_148, %mul3A_151 : i32
    %swap3A_153 = arith.index_cast %mul3A_152 : i32 to index
    %swap3A_154 = tpu.vector_load %arg7[%swap3A_153] {strides = array<i32>} : memref<512xf32, #tpu.memory_space<vmem>>, vector<16xf32>,
    %swap3A_155 = vector.shape_cast %swap3A_154 : vector<16xf32> to vector<16xf32>
    %swap3A_156 = vector.shape_cast %broadcast_in_dim3A_150 : vector<16xf32> to vector<16xf32>
    tpu.vector_store %arg7[%swap3A_153], %swap3A_156 {strides = array<i32>} : memref<512xf32, #tpu.memory_space<vmem>>, vector<16xf32>,
    %scan3A_157 = arith.constant 0 : i32
    %scan3A_158 = arith.constant 14 : i32
    %broadcast_in_dim3A_159 = arith.constant 0.000000e+00 : f32
    %broadcast_in_dim3A_160 = vector.broadcast %broadcast_in_dim3A_159 : f32 to vector<16xf32>
    %mul3A_161 = arith.constant 16 : i32
    %mul3A_162 = arith.muli %scan3A_158, %mul3A_161 : i32
    %swap3A_163 = arith.index_cast %mul3A_162 : i32 to index
    %swap3A_164 = tpu.vector_load %arg7[%swap3A_163] {strides = array<i32>} : memref<512xf32, #tpu.memory_space<vmem>>, vector<16xf32>,
    %swap3A_165 = vector.shape_cast %swap3A_164 : vector<16xf32> to vector<16xf32>
    %swap3A_166 = vector.shape_cast %broadcast_in_dim3A_160 : vector<16xf32> to vector<16xf32>
    tpu.vector_store %arg7[%swap3A_163], %swap3A_166 {strides = array<i32>} : memref<512xf32, #tpu.memory_space<vmem>>, vector<16xf32>,
    %scan3A_167 = arith.constant 0 : i32
    %scan3A_168 = arith.constant 15 : i32
    %broadcast_in_dim3A_169 = arith.constant 0.000000e+00 : f32
    %broadcast_in_dim3A_170 = vector.broadcast %broadcast_in_dim3A_169 : f32 to vector<16xf32>
    %mul3A_171 = arith.constant 16 : i32
    %mul3A_172 = arith.muli %scan3A_168, %mul3A_171 : i32
    %swap3A_173 = arith.index_cast %mul3A_172 : i32 to index
    %swap3A_174 = tpu.vector_load %arg7[%swap3A_173] {strides = array<i32>} : memref<512xf32, #tpu.memory_space<vmem>>, vector<16xf32>,
    %swap3A_175 = vector.shape_cast %swap3A_174 : vector<16xf32> to vector<16xf32>
    %swap3A_176 = vector.shape_cast %broadcast_in_dim3A_170 : vector<16xf32> to vector<16xf32>
    tpu.vector_store %arg7[%swap3A_173], %swap3A_176 {strides = array<i32>} : memref<512xf32, #tpu.memory_space<vmem>>, vector<16xf32>,
    %scan3A_177 = arith.constant 0 : i32
    %scan3A_178 = arith.constant 16 : i32
    %broadcast_in_dim3A_179 = arith.constant 0.000000e+00 : f32
    %broadcast_in_dim3A_180 = vector.broadcast %broadcast_in_dim3A_179 : f32 to vector<16xf32>
    %mul3A_181 = arith.constant 16 : i32
    %mul3A_182 = arith.muli %scan3A_178, %mul3A_181 : i32
    %swap3A_183 = arith.index_cast %mul3A_182 : i32 to index
    %swap3A_184 = tpu.vector_load %arg7[%swap3A_183] {strides = array<i32>} : memref<512xf32, #tpu.memory_space<vmem>>, vector<16xf32>,
    %swap3A_185 = vector.shape_cast %swap3A_184 : vector<16xf32> to vector<16xf32>
    %swap3A_186 = vector.shape_cast %broadcast_in_dim3A_180 : vector<16xf32> to vector<16xf32>
    tpu.vector_store %arg7[%swap3A_183], %swap3A_186 {strides = array<i32>} : memref<512xf32, #tpu.memory_space<vmem>>, vector<16xf32>,
    %scan3A_187 = arith.constant 0 : i32
    %scan3A_188 = arith.constant 17 : i32
    %broadcast_in_dim3A_189 = arith.constant 0.000000e+00 : f32
    %broadcast_in_dim3A_190 = vector.broadcast %broadcast_in_dim3A_189 : f32 to vector<16xf32>
    %mul3A_191 = arith.constant 16 : i32
    %mul3A_192 = arith.muli %scan3A_188, %mul3A_191 : i32
    %swap3A_193 = arith.index_cast %mul3A_192 : i32 to index
    %swap3A_194 = tpu.vector_load %arg7[%swap3A_193] {strides = array<i32>} : memref<512xf32, #tpu.memory_space<vmem>>, vector<16xf32>,
    %swap3A_195 = vector.shape_cast %swap3A_194 : vector<16xf32> to vector<16xf32>
    %swap3A_196 = vector.shape_cast %broadcast_in_dim3A_190 : vector<16xf32> to vector<16xf32>
    tpu.vector_store %arg7[%swap3A_193], %swap3A_196 {strides = array<i32>} : memref<512xf32, #tpu.memory_space<vmem>>, vector<16xf32>,
    %scan3A_197 = arith.constant 0 : i32
    %scan3A_198 = arith.constant 18 : i32
    %broadcast_in_dim3A_199 = arith.constant 0.000000e+00 : f32
    %broadcast_in_dim3A_200 = vector.broadcast %broadcast_in_dim3A_199 : f32 to vector<16xf32>
    %mul3A_201 = arith.constant 16 : i32
    %mul3A_202 = arith.muli %scan3A_198, %mul3A_201 : i32
    %swap3A_203 = arith.index_cast %mul3A_202 : i32 to index
    %swap3A_204 = tpu.vector_load %arg7[%swap3A_203] {strides = array<i32>} : memref<512xf32, #tpu.memory_space<vmem>>, vector<16xf32>,
    %swap3A_205 = vector.shape_cast %swap3A_204 : vector<16xf32> to vector<16xf32>
    %swap3A_206 = vector.shape_cast %broadcast_in_dim3A_200 : vector<16xf32> to vector<16xf32>
    tpu.vector_store %arg7[%swap3A_203], %swap3A_206 {strides = array<i32>} : memref<512xf32, #tpu.memory_space<vmem>>, vector<16xf32>,
    %scan3A_207 = arith.constant 0 : i32
    %scan3A_208 = arith.constant 19 : i32
    %broadcast_in_dim3A_209 = arith.constant 0.000000e+00 : f32
    %broadcast_in_dim3A_210 = vector.broadcast %broadcast_in_dim3A_209 : f32 to vector<16xf32>
    %mul3A_211 = arith.constant 16 : i32
    %mul3A_212 = arith.muli %scan3A_208, %mul3A_211 : i32
    %swap3A_213 = arith.index_cast %mul3A_212 : i32 to index
    %swap3A_214 = tpu.vector_load %arg7[%swap3A_213] {strides = array<i32>} : memref<512xf32, #tpu.memory_space<vmem>>, vector<16xf32>,
    %swap3A_215 = vector.shape_cast %swap3A_214 : vector<16xf32> to vector<16xf32>
    %swap3A_216 = vector.shape_cast %broadcast_in_dim3A_210 : vector<16xf32> to vector<16xf32>
    tpu.vector_store %arg7[%swap3A_213], %swap3A_216 {strides = array<i32>} : memref<512xf32, #tpu.memory_space<vmem>>, vector<16xf32>,
    %scan3A_217 = arith.constant 0 : i32
    %scan3A_218 = arith.constant 20 : i32
    %broadcast_in_dim3A_219 = arith.constant 0.000000e+00 : f32
    %broadcast_in_dim3A_220 = vector.broadcast %broadcast_in_dim3A_219 : f32 to vector<16xf32>
    %mul3A_221 = arith.constant 16 : i32
    %mul3A_222 = arith.muli %scan3A_218, %mul3A_221 : i32
    %swap3A_223 = arith.index_cast %mul3A_222 : i32 to index
    %swap3A_224 = tpu.vector_load %arg7[%swap3A_223] {strides = array<i32>} : memref<512xf32, #tpu.memory_space<vmem>>, vector<16xf32>,
    %swap3A_225 = vector.shape_cast %swap3A_224 : vector<16xf32> to vector<16xf32>
    %swap3A_226 = vector.shape_cast %broadcast_in_dim3A_220 : vector<16xf32> to vector<16xf32>
    tpu.vector_store %arg7[%swap3A_223], %swap3A_226 {strides = array<i32>} : memref<512xf32, #tpu.memory_space<vmem>>, vector<16xf32>,
    %scan3A_227 = arith.constant 0 : i32
    %scan3A_228 = arith.constant 21 : i32
    %broadcast_in_dim3A_229 = arith.constant 0.000000e+00 : f32
    %broadcast_in_dim3A_230 = vector.broadcast %broadcast_in_dim3A_229 : f32 to vector<16xf32>
    %mul3A_231 = arith.constant 16 : i32
    %mul3A_232 = arith.muli %scan3A_228, %mul3A_231 : i32
    %swap3A_233 = arith.index_cast %mul3A_232 : i32 to index
    %swap3A_234 = tpu.vector_load %arg7[%swap3A_233] {strides = array<i32>} : memref<512xf32, #tpu.memory_space<vmem>>, vector<16xf32>,
    %swap3A_235 = vector.shape_cast %swap3A_234 : vector<16xf32> to vector<16xf32>
    %swap3A_236 = vector.shape_cast %broadcast_in_dim3A_230 : vector<16xf32> to vector<16xf32>
    tpu.vector_store %arg7[%swap3A_233], %swap3A_236 {strides = array<i32>} : memref<512xf32, #tpu.memory_space<vmem>>, vector<16xf32>,
    %scan3A_237 = arith.constant 0 : i32
    %scan3A_238 = arith.constant 22 : i32
    %broadcast_in_dim3A_239 = arith.constant 0.000000e+00 : f32
    %broadcast_in_dim3A_240 = vector.broadcast %broadcast_in_dim3A_239 : f32 to vector<16xf32>
    %mul3A_241 = arith.constant 16 : i32
    %mul3A_242 = arith.muli %scan3A_238, %mul3A_241 : i32
    %swap3A_243 = arith.index_cast %mul3A_242 : i32 to index
    %swap3A_244 = tpu.vector_load %arg7[%swap3A_243] {strides = array<i32>} : memref<512xf32, #tpu.memory_space<vmem>>, vector<16xf32>,
    %swap3A_245 = vector.shape_cast %swap3A_244 : vector<16xf32> to vector<16xf32>
    %swap3A_246 = vector.shape_cast %broadcast_in_dim3A_240 : vector<16xf32> to vector<16xf32>
    tpu.vector_store %arg7[%swap3A_243], %swap3A_246 {strides = array<i32>} : memref<512xf32, #tpu.memory_space<vmem>>, vector<16xf32>,
    %scan3A_247 = arith.constant 0 : i32
    %scan3A_248 = arith.constant 23 : i32
    %broadcast_in_dim3A_249 = arith.constant 0.000000e+00 : f32
    %broadcast_in_dim3A_250 = vector.broadcast %broadcast_in_dim3A_249 : f32 to vector<16xf32>
    %mul3A_251 = arith.constant 16 : i32
    %mul3A_252 = arith.muli %scan3A_248, %mul3A_251 : i32
    %swap3A_253 = arith.index_cast %mul3A_252 : i32 to index
    %swap3A_254 = tpu.vector_load %arg7[%swap3A_253] {strides = array<i32>} : memref<512xf32, #tpu.memory_space<vmem>>, vector<16xf32>,
    %swap3A_255 = vector.shape_cast %swap3A_254 : vector<16xf32> to vector<16xf32>
    %swap3A_256 = vector.shape_cast %broadcast_in_dim3A_250 : vector<16xf32> to vector<16xf32>
    tpu.vector_store %arg7[%swap3A_253], %swap3A_256 {strides = array<i32>} : memref<512xf32, #tpu.memory_space<vmem>>, vector<16xf32>,
    %scan3A_257 = arith.constant 0 : i32
    %scan3A_258 = arith.constant 24 : i32
    %broadcast_in_dim3A_259 = arith.constant 0.000000e+00 : f32
    %broadcast_in_dim3A_260 = vector.broadcast %broadcast_in_dim3A_259 : f32 to vector<16xf32>
    %mul3A_261 = arith.constant 16 : i32
    %mul3A_262 = arith.muli %scan3A_258, %mul3A_261 : i32
    %swap3A_263 = arith.index_cast %mul3A_262 : i32 to index
    %swap3A_264 = tpu.vector_load %arg7[%swap3A_263] {strides = array<i32>} : memref<512xf32, #tpu.memory_space<vmem>>, vector<16xf32>,
    %swap3A_265 = vector.shape_cast %swap3A_264 : vector<16xf32> to vector<16xf32>
    %swap3A_266 = vector.shape_cast %broadcast_in_dim3A_260 : vector<16xf32> to vector<16xf32>
    tpu.vector_store %arg7[%swap3A_263], %swap3A_266 {strides = array<i32>} : memref<512xf32, #tpu.memory_space<vmem>>, vector<16xf32>,
    %scan3A_267 = arith.constant 0 : i32
    %scan3A_268 = arith.constant 25 : i32
    %broadcast_in_dim3A_269 = arith.constant 0.000000e+00 : f32
    %broadcast_in_dim3A_270 = vector.broadcast %broadcast_in_dim3A_269 : f32 to vector<16xf32>
    %mul3A_271 = arith.constant 16 : i32
    %mul3A_272 = arith.muli %scan3A_268, %mul3A_271 : i32
    %swap3A_273 = arith.index_cast %mul3A_272 : i32 to index
    %swap3A_274 = tpu.vector_load %arg7[%swap3A_273] {strides = array<i32>} : memref<512xf32, #tpu.memory_space<vmem>>, vector<16xf32>,
    %swap3A_275 = vector.shape_cast %swap3A_274 : vector<16xf32> to vector<16xf32>
    %swap3A_276 = vector.shape_cast %broadcast_in_dim3A_270 : vector<16xf32> to vector<16xf32>
    tpu.vector_store %arg7[%swap3A_273], %swap3A_276 {strides = array<i32>} : memref<512xf32, #tpu.memory_space<vmem>>, vector<16xf32>,
    %scan3A_277 = arith.constant 0 : i32
    %scan3A_278 = arith.constant 26 : i32
    %broadcast_in_dim3A_279 = arith.constant 0.000000e+00 : f32
    %broadcast_in_dim3A_280 = vector.broadcast %broadcast_in_dim3A_279 : f32 to vector<16xf32>
    %mul3A_281 = arith.constant 16 : i32
    %mul3A_282 = arith.muli %scan3A_278, %mul3A_281 : i32
    %swap3A_283 = arith.index_cast %mul3A_282 : i32 to index
    %swap3A_284 = tpu.vector_load %arg7[%swap3A_283] {strides = array<i32>} : memref<512xf32, #tpu.memory_space<vmem>>, vector<16xf32>,
    %swap3A_285 = vector.shape_cast %swap3A_284 : vector<16xf32> to vector<16xf32>
    %swap3A_286 = vector.shape_cast %broadcast_in_dim3A_280 : vector<16xf32> to vector<16xf32>
    tpu.vector_store %arg7[%swap3A_283], %swap3A_286 {strides = array<i32>} : memref<512xf32, #tpu.memory_space<vmem>>, vector<16xf32>,
    %scan3A_287 = arith.constant 0 : i32
    %scan3A_288 = arith.constant 27 : i32
    %broadcast_in_dim3A_289 = arith.constant 0.000000e+00 : f32
    %broadcast_in_dim3A_290 = vector.broadcast %broadcast_in_dim3A_289 : f32 to vector<16xf32>
    %mul3A_291 = arith.constant 16 : i32
    %mul3A_292 = arith.muli %scan3A_288, %mul3A_291 : i32
    %swap3A_293 = arith.index_cast %mul3A_292 : i32 to index
    %swap3A_294 = tpu.vector_load %arg7[%swap3A_293] {strides = array<i32>} : memref<512xf32, #tpu.memory_space<vmem>>, vector<16xf32>,
    %swap3A_295 = vector.shape_cast %swap3A_294 : vector<16xf32> to vector<16xf32>
    %swap3A_296 = vector.shape_cast %broadcast_in_dim3A_290 : vector<16xf32> to vector<16xf32>
    tpu.vector_store %arg7[%swap3A_293], %swap3A_296 {strides = array<i32>} : memref<512xf32, #tpu.memory_space<vmem>>, vector<16xf32>,
    %scan3A_297 = arith.constant 0 : i32
    %scan3A_298 = arith.constant 28 : i32
    %broadcast_in_dim3A_299 = arith.constant 0.000000e+00 : f32
    %broadcast_in_dim3A_300 = vector.broadcast %broadcast_in_dim3A_299 : f32 to vector<16xf32>
    %mul3A_301 = arith.constant 16 : i32
    %mul3A_302 = arith.muli %scan3A_298, %mul3A_301 : i32
    %swap3A_303 = arith.index_cast %mul3A_302 : i32 to index
    %swap3A_304 = tpu.vector_load %arg7[%swap3A_303] {strides = array<i32>} : memref<512xf32, #tpu.memory_space<vmem>>, vector<16xf32>,
    %swap3A_305 = vector.shape_cast %swap3A_304 : vector<16xf32> to vector<16xf32>
    %swap3A_306 = vector.shape_cast %broadcast_in_dim3A_300 : vector<16xf32> to vector<16xf32>
    tpu.vector_store %arg7[%swap3A_303], %swap3A_306 {strides = array<i32>} : memref<512xf32, #tpu.memory_space<vmem>>, vector<16xf32>,
    %scan3A_307 = arith.constant 0 : i32
    %scan3A_308 = arith.constant 29 : i32
    %broadcast_in_dim3A_309 = arith.constant 0.000000e+00 : f32
    %broadcast_in_dim3A_310 = vector.broadcast %broadcast_in_dim3A_309 : f32 to vector<16xf32>
    %mul3A_311 = arith.constant 16 : i32
    %mul3A_312 = arith.muli %scan3A_308, %mul3A_311 : i32
    %swap3A_313 = arith.index_cast %mul3A_312 : i32 to index
    %swap3A_314 = tpu.vector_load %arg7[%swap3A_313] {strides = array<i32>} : memref<512xf32, #tpu.memory_space<vmem>>, vector<16xf32>,
    %swap3A_315 = vector.shape_cast %swap3A_314 : vector<16xf32> to vector<16xf32>
    %swap3A_316 = vector.shape_cast %broadcast_in_dim3A_310 : vector<16xf32> to vector<16xf32>
    tpu.vector_store %arg7[%swap3A_313], %swap3A_316 {strides = array<i32>} : memref<512xf32, #tpu.memory_space<vmem>>, vector<16xf32>,
    %scan3A_317 = arith.constant 0 : i32
    %scan3A_318 = arith.constant 30 : i32
    %broadcast_in_dim3A_319 = arith.constant 0.000000e+00 : f32
    %broadcast_in_dim3A_320 = vector.broadcast %broadcast_in_dim3A_319 : f32 to vector<16xf32>
    %mul3A_321 = arith.constant 16 : i32
    %mul3A_322 = arith.muli %scan3A_318, %mul3A_321 : i32
    %swap3A_323 = arith.index_cast %mul3A_322 : i32 to index
    %swap3A_324 = tpu.vector_load %arg7[%swap3A_323] {strides = array<i32>} : memref<512xf32, #tpu.memory_space<vmem>>, vector<16xf32>,
    %swap3A_325 = vector.shape_cast %swap3A_324 : vector<16xf32> to vector<16xf32>
    %swap3A_326 = vector.shape_cast %broadcast_in_dim3A_320 : vector<16xf32> to vector<16xf32>
    tpu.vector_store %arg7[%swap3A_323], %swap3A_326 {strides = array<i32>} : memref<512xf32, #tpu.memory_space<vmem>>, vector<16xf32>,
    %scan3A_327 = arith.constant 0 : i32
    %scan3A_328 = arith.constant 31 : i32
    %broadcast_in_dim3A_329 = arith.constant 0.000000e+00 : f32
    %broadcast_in_dim3A_330 = vector.broadcast %broadcast_in_dim3A_329 : f32 to vector<16xf32>
    %mul3A_331 = arith.constant 16 : i32
    %mul3A_332 = arith.muli %scan3A_328, %mul3A_331 : i32
    %swap3A_333 = arith.index_cast %mul3A_332 : i32 to index
    %swap3A_334 = tpu.vector_load %arg7[%swap3A_333] {strides = array<i32>} : memref<512xf32, #tpu.memory_space<vmem>>, vector<16xf32>,
    %swap3A_335 = vector.shape_cast %swap3A_334 : vector<16xf32> to vector<16xf32>
    %swap3A_336 = vector.shape_cast %broadcast_in_dim3A_330 : vector<16xf32> to vector<16xf32>
    tpu.vector_store %arg7[%swap3A_333], %swap3A_336 {strides = array<i32>} : memref<512xf32, #tpu.memory_space<vmem>>, vector<16xf32>,
    %scan3A_337 = arith.constant 0 : i32
    %scan3A_338 = arith.constant 32 : i32
    %scan3A_339 = arith.constant 0 : i32
    %scan3A_340 = arith.constant 0 : i32
    %scan3A_341 = arith.constant 26 : i32
    %scan3A_342 = arith.addi %scan3A_340, %scan3A_341 : i32
    %scan3A_343 = arith.constant 1 : i32
    %scan3A_344 = scf.for %scan3A_346 = %scan3A_340 to %scan3A_342 step %scan3A_343 iter_args(%scan3A_347 = %scan3A_339) -> (i32)  : i32 {
      %scan3A_348 = arith.constant 0 : i32
      %scan3A_349 = arith.constant 0 : i32
      %mul3A_350 = arith.constant 16 : i32
      %mul3A_351 = arith.muli %scan3A_349, %mul3A_350 : i32
      %get3A = arith.index_cast %mul3A_351 : i32 to index
      %get3A_352 = tpu.vector_load %arg7[%get3A] {strides = array<i32>} : memref<512xf32, #tpu.memory_space<vmem>>, vector<16xf32>,
      %get3A_353 = vector.shape_cast %get3A_352 : vector<16xf32> to vector<16xf32>
      %mul3A_354 = arith.constant 512 : i32
      %mul3A_355 = arith.muli %scan3A_346, %mul3A_354 : i32
      %mul3A_356 = arith.constant 16 : i32
      %mul3A_357 = arith.muli %scan3A_349, %mul3A_356 : i32
      %add3A_358 = arith.addi %mul3A_355, %mul3A_357 : i32
      %get3A_359 = arith.index_cast %add3A_358 : i32 to index
      %get3A_360 = tpu.vector_load %arg6[%get3A_359] {strides = array<i32>} : memref<13312xf32, #tpu.memory_space<vmem>>, vector<16xf32>,
      %get3A_361 = vector.shape_cast %get3A_360 : vector<16xf32> to vector<16xf32>
      %add3A_362 = arith.addf %get3A_353, %get3A_361 : vector<16xf32>
      %swap3A_363 = arith.index_cast %mul3A_351 : i32 to index
      %swap3A_364 = tpu.vector_load %arg7[%swap3A_363] {strides = array<i32>} : memref<512xf32, #tpu.memory_space<vmem>>, vector<16xf32>,
      %swap3A_365 = vector.shape_cast %swap3A_364 : vector<16xf32> to vector<16xf32>
      %swap3A_366 = vector.shape_cast %add3A_362 : vector<16xf32> to vector<16xf32>
      tpu.vector_store %arg7[%swap3A_363], %swap3A_366 {strides = array<i32>} : memref<512xf32, #tpu.memory_space<vmem>>, vector<16xf32>,
      %scan3A_367 = arith.constant 0 : i32
      %scan3A_368 = arith.constant 1 : i32
      %mul3A_369 = arith.constant 16 : i32
      %mul3A_370 = arith.muli %scan3A_368, %mul3A_369 : i32
      %get3A_371 = arith.index_cast %mul3A_370 : i32 to index
      %get3A_372 = tpu.vector_load %arg7[%get3A_371] {strides = array<i32>} : memref<512xf32, #tpu.memory_space<vmem>>, vector<16xf32>,
      %get3A_373 = vector.shape_cast %get3A_372 : vector<16xf32> to vector<16xf32>
      %mul3A_374 = arith.constant 512 : i32
      %mul3A_375 = arith.muli %scan3A_346, %mul3A_374 : i32
      %mul3A_376 = arith.constant 16 : i32
      %mul3A_377 = arith.muli %scan3A_368, %mul3A_376 : i32
      %add3A_378 = arith.addi %mul3A_375, %mul3A_377 : i32
      %get3A_379 = arith.index_cast %add3A_378 : i32 to index
      %get3A_380 = tpu.vector_load %arg6[%get3A_379] {strides = array<i32>} : memref<13312xf32, #tpu.memory_space<vmem>>, vector<16xf32>,
      %get3A_381 = vector.shape_cast %get3A_380 : vector<16xf32> to vector<16xf32>
      %add3A_382 = arith.addf %get3A_373, %get3A_381 : vector<16xf32>
      %swap3A_383 = arith.index_cast %mul3A_370 : i32 to index
      %swap3A_384 = tpu.vector_load %arg7[%swap3A_383] {strides = array<i32>} : memref<512xf32, #tpu.memory_space<vmem>>, vector<16xf32>,
      %swap3A_385 = vector.shape_cast %swap3A_384 : vector<16xf32> to vector<16xf32>
      %swap3A_386 = vector.shape_cast %add3A_382 : vector<16xf32> to vector<16xf32>
      tpu.vector_store %arg7[%swap3A_383], %swap3A_386 {strides = array<i32>} : memref<512xf32, #tpu.memory_space<vmem>>, vector<16xf32>,
      %scan3A_387 = arith.constant 0 : i32
      %scan3A_388 = arith.constant 2 : i32
      %mul3A_389 = arith.constant 16 : i32
      %mul3A_390 = arith.muli %scan3A_388, %mul3A_389 : i32
      %get3A_391 = arith.index_cast %mul3A_390 : i32 to index
      %get3A_392 = tpu.vector_load %arg7[%get3A_391] {strides = array<i32>} : memref<512xf32, #tpu.memory_space<vmem>>, vector<16xf32>,
      %get3A_393 = vector.shape_cast %get3A_392 : vector<16xf32> to vector<16xf32>
      %mul3A_394 = arith.constant 512 : i32
      %mul3A_395 = arith.muli %scan3A_346, %mul3A_394 : i32
      %mul3A_396 = arith.constant 16 : i32
      %mul3A_397 = arith.muli %scan3A_388, %mul3A_396 : i32
      %add3A_398 = arith.addi %mul3A_395, %mul3A_397 : i32
      %get3A_399 = arith.index_cast %add3A_398 : i32 to index
      %get3A_400 = tpu.vector_load %arg6[%get3A_399] {strides = array<i32>} : memref<13312xf32, #tpu.memory_space<vmem>>, vector<16xf32>,
      %get3A_401 = vector.shape_cast %get3A_400 : vector<16xf32> to vector<16xf32>
      %add3A_402 = arith.addf %get3A_393, %get3A_401 : vector<16xf32>
      %swap3A_403 = arith.index_cast %mul3A_390 : i32 to index
      %swap3A_404 = tpu.vector_load %arg7[%swap3A_403] {strides = array<i32>} : memref<512xf32, #tpu.memory_space<vmem>>, vector<16xf32>,
      %swap3A_405 = vector.shape_cast %swap3A_404 : vector<16xf32> to vector<16xf32>
      %swap3A_406 = vector.shape_cast %add3A_402 : vector<16xf32> to vector<16xf32>
      tpu.vector_store %arg7[%swap3A_403], %swap3A_406 {strides = array<i32>} : memref<512xf32, #tpu.memory_space<vmem>>, vector<16xf32>,
      %scan3A_407 = arith.constant 0 : i32
      %scan3A_408 = arith.constant 3 : i32
      %mul3A_409 = arith.constant 16 : i32
      %mul3A_410 = arith.muli %scan3A_408, %mul3A_409 : i32
      %get3A_411 = arith.index_cast %mul3A_410 : i32 to index
      %get3A_412 = tpu.vector_load %arg7[%get3A_411] {strides = array<i32>} : memref<512xf32, #tpu.memory_space<vmem>>, vector<16xf32>,
      %get3A_413 = vector.shape_cast %get3A_412 : vector<16xf32> to vector<16xf32>
      %mul3A_414 = arith.constant 512 : i32
      %mul3A_415 = arith.muli %scan3A_346, %mul3A_414 : i32
      %mul3A_416 = arith.constant 16 : i32
      %mul3A_417 = arith.muli %scan3A_408, %mul3A_416 : i32
      %add3A_418 = arith.addi %mul3A_415, %mul3A_417 : i32
      %get3A_419 = arith.index_cast %add3A_418 : i32 to index
      %get3A_420 = tpu.vector_load %arg6[%get3A_419] {strides = array<i32>} : memref<13312xf32, #tpu.memory_space<vmem>>, vector<16xf32>,
      %get3A_421 = vector.shape_cast %get3A_420 : vector<16xf32> to vector<16xf32>
      %add3A_422 = arith.addf %get3A_413, %get3A_421 : vector<16xf32>
      %swap3A_423 = arith.index_cast %mul3A_410 : i32 to index
      %swap3A_424 = tpu.vector_load %arg7[%swap3A_423] {strides = array<i32>} : memref<512xf32, #tpu.memory_space<vmem>>, vector<16xf32>,
      %swap3A_425 = vector.shape_cast %swap3A_424 : vector<16xf32> to vector<16xf32>
      %swap3A_426 = vector.shape_cast %add3A_422 : vector<16xf32> to vector<16xf32>
      tpu.vector_store %arg7[%swap3A_423], %swap3A_426 {strides = array<i32>} : memref<512xf32, #tpu.memory_space<vmem>>, vector<16xf32>,
      %scan3A_427 = arith.constant 0 : i32
      %scan3A_428 = arith.constant 4 : i32
      %mul3A_429 = arith.constant 16 : i32
      %mul3A_430 = arith.muli %scan3A_428, %mul3A_429 : i32
      %get3A_431 = arith.index_cast %mul3A_430 : i32 to index
      %get3A_432 = tpu.vector_load %arg7[%get3A_431] {strides = array<i32>} : memref<512xf32, #tpu.memory_space<vmem>>, vector<16xf32>,
      %get3A_433 = vector.shape_cast %get3A_432 : vector<16xf32> to vector<16xf32>
      %mul3A_434 = arith.constant 512 : i32
      %mul3A_435 = arith.muli %scan3A_346, %mul3A_434 : i32
      %mul3A_436 = arith.constant 16 : i32
      %mul3A_437 = arith.muli %scan3A_428, %mul3A_436 : i32
      %add3A_438 = arith.addi %mul3A_435, %mul3A_437 : i32
      %get3A_439 = arith.index_cast %add3A_438 : i32 to index
      %get3A_440 = tpu.vector_load %arg6[%get3A_439] {strides = array<i32>} : memref<13312xf32, #tpu.memory_space<vmem>>, vector<16xf32>,
      %get3A_441 = vector.shape_cast %get3A_440 : vector<16xf32> to vector<16xf32>
      %add3A_442 = arith.addf %get3A_433, %get3A_441 : vector<16xf32>
      %swap3A_443 = arith.index_cast %mul3A_430 : i32 to index
      %swap3A_444 = tpu.vector_load %arg7[%swap3A_443] {strides = array<i32>} : memref<512xf32, #tpu.memory_space<vmem>>, vector<16xf32>,
      %swap3A_445 = vector.shape_cast %swap3A_444 : vector<16xf32> to vector<16xf32>
      %swap3A_446 = vector.shape_cast %add3A_442 : vector<16xf32> to vector<16xf32>
      tpu.vector_store %arg7[%swap3A_443], %swap3A_446 {strides = array<i32>} : memref<512xf32, #tpu.memory_space<vmem>>, vector<16xf32>,
      %scan3A_447 = arith.constant 0 : i32
      %scan3A_448 = arith.constant 5 : i32
      %mul3A_449 = arith.constant 16 : i32
      %mul3A_450 = arith.muli %scan3A_448, %mul3A_449 : i32
      %get3A_451 = arith.index_cast %mul3A_450 : i32 to index
      %get3A_452 = tpu.vector_load %arg7[%get3A_451] {strides = array<i32>} : memref<512xf32, #tpu.memory_space<vmem>>, vector<16xf32>,
      %get3A_453 = vector.shape_cast %get3A_452 : vector<16xf32> to vector<16xf32>
      %mul3A_454 = arith.constant 512 : i32
      %mul3A_455 = arith.muli %scan3A_346, %mul3A_454 : i32
      %mul3A_456 = arith.constant 16 : i32
      %mul3A_457 = arith.muli %scan3A_448, %mul3A_456 : i32
      %add3A_458 = arith.addi %mul3A_455, %mul3A_457 : i32
      %get3A_459 = arith.index_cast %add3A_458 : i32 to index
      %get3A_460 = tpu.vector_load %arg6[%get3A_459] {strides = array<i32>} : memref<13312xf32, #tpu.memory_space<vmem>>, vector<16xf32>,
      %get3A_461 = vector.shape_cast %get3A_460 : vector<16xf32> to vector<16xf32>
      %add3A_462 = arith.addf %get3A_453, %get3A_461 : vector<16xf32>
      %swap3A_463 = arith.index_cast %mul3A_450 : i32 to index
      %swap3A_464 = tpu.vector_load %arg7[%swap3A_463] {strides = array<i32>} : memref<512xf32, #tpu.memory_space<vmem>>, vector<16xf32>,
      %swap3A_465 = vector.shape_cast %swap3A_464 : vector<16xf32> to vector<16xf32>
      %swap3A_466 = vector.shape_cast %add3A_462 : vector<16xf32> to vector<16xf32>
      tpu.vector_store %arg7[%swap3A_463], %swap3A_466 {strides = array<i32>} : memref<512xf32, #tpu.memory_space<vmem>>, vector<16xf32>,
      %scan3A_467 = arith.constant 0 : i32
      %scan3A_468 = arith.constant 6 : i32
      %mul3A_469 = arith.constant 16 : i32
      %mul3A_470 = arith.muli %scan3A_468, %mul3A_469 : i32
      %get3A_471 = arith.index_cast %mul3A_470 : i32 to index
      %get3A_472 = tpu.vector_load %arg7[%get3A_471] {strides = array<i32>} : memref<512xf32, #tpu.memory_space<vmem>>, vector<16xf32>,
      %get3A_473 = vector.shape_cast %get3A_472 : vector<16xf32> to vector<16xf32>
      %mul3A_474 = arith.constant 512 : i32
      %mul3A_475 = arith.muli %scan3A_346, %mul3A_474 : i32
      %mul3A_476 = arith.constant 16 : i32
      %mul3A_477 = arith.muli %scan3A_468, %mul3A_476 : i32
      %add3A_478 = arith.addi %mul3A_475, %mul3A_477 : i32
      %get3A_479 = arith.index_cast %add3A_478 : i32 to index
      %get3A_480 = tpu.vector_load %arg6[%get3A_479] {strides = array<i32>} : memref<13312xf32, #tpu.memory_space<vmem>>, vector<16xf32>,
      %get3A_481 = vector.shape_cast %get3A_480 : vector<16xf32> to vector<16xf32>
      %add3A_482 = arith.addf %get3A_473, %get3A_481 : vector<16xf32>
      %swap3A_483 = arith.index_cast %mul3A_470 : i32 to index
      %swap3A_484 = tpu.vector_load %arg7[%swap3A_483] {strides = array<i32>} : memref<512xf32, #tpu.memory_space<vmem>>, vector<16xf32>,
      %swap3A_485 = vector.shape_cast %swap3A_484 : vector<16xf32> to vector<16xf32>
      %swap3A_486 = vector.shape_cast %add3A_482 : vector<16xf32> to vector<16xf32>
      tpu.vector_store %arg7[%swap3A_483], %swap3A_486 {strides = array<i32>} : memref<512xf32, #tpu.memory_space<vmem>>, vector<16xf32>,
      %scan3A_487 = arith.constant 0 : i32
      %scan3A_488 = arith.constant 7 : i32
      %mul3A_489 = arith.constant 16 : i32
      %mul3A_490 = arith.muli %scan3A_488, %mul3A_489 : i32
      %get3A_491 = arith.index_cast %mul3A_490 : i32 to index
      %get3A_492 = tpu.vector_load %arg7[%get3A_491] {strides = array<i32>} : memref<512xf32, #tpu.memory_space<vmem>>, vector<16xf32>,
      %get3A_493 = vector.shape_cast %get3A_492 : vector<16xf32> to vector<16xf32>
      %mul3A_494 = arith.constant 512 : i32
      %mul3A_495 = arith.muli %scan3A_346, %mul3A_494 : i32
      %mul3A_496 = arith.constant 16 : i32
      %mul3A_497 = arith.muli %scan3A_488, %mul3A_496 : i32
      %add3A_498 = arith.addi %mul3A_495, %mul3A_497 : i32
      %get3A_499 = arith.index_cast %add3A_498 : i32 to index
      %get3A_500 = tpu.vector_load %arg6[%get3A_499] {strides = array<i32>} : memref<13312xf32, #tpu.memory_space<vmem>>, vector<16xf32>,
      %get3A_501 = vector.shape_cast %get3A_500 : vector<16xf32> to vector<16xf32>
      %add3A_502 = arith.addf %get3A_493, %get3A_501 : vector<16xf32>
      %swap3A_503 = arith.index_cast %mul3A_490 : i32 to index
      %swap3A_504 = tpu.vector_load %arg7[%swap3A_503] {strides = array<i32>} : memref<512xf32, #tpu.memory_space<vmem>>, vector<16xf32>,
      %swap3A_505 = vector.shape_cast %swap3A_504 : vector<16xf32> to vector<16xf32>
      %swap3A_506 = vector.shape_cast %add3A_502 : vector<16xf32> to vector<16xf32>
      tpu.vector_store %arg7[%swap3A_503], %swap3A_506 {strides = array<i32>} : memref<512xf32, #tpu.memory_space<vmem>>, vector<16xf32>,
      %scan3A_507 = arith.constant 0 : i32
      %scan3A_508 = arith.constant 8 : i32
      %mul3A_509 = arith.constant 16 : i32
      %mul3A_510 = arith.muli %scan3A_508, %mul3A_509 : i32
      %get3A_511 = arith.index_cast %mul3A_510 : i32 to index
      %get3A_512 = tpu.vector_load %arg7[%get3A_511] {strides = array<i32>} : memref<512xf32, #tpu.memory_space<vmem>>, vector<16xf32>,
      %get3A_513 = vector.shape_cast %get3A_512 : vector<16xf32> to vector<16xf32>
      %mul3A_514 = arith.constant 512 : i32
      %mul3A_515 = arith.muli %scan3A_346, %mul3A_514 : i32
      %mul3A_516 = arith.constant 16 : i32
      %mul3A_517 = arith.muli %scan3A_508, %mul3A_516 : i32
      %add3A_518 = arith.addi %mul3A_515, %mul3A_517 : i32
      %get3A_519 = arith.index_cast %add3A_518 : i32 to index
      %get3A_520 = tpu.vector_load %arg6[%get3A_519] {strides = array<i32>} : memref<13312xf32, #tpu.memory_space<vmem>>, vector<16xf32>,
      %get3A_521 = vector.shape_cast %get3A_520 : vector<16xf32> to vector<16xf32>
      %add3A_522 = arith.addf %get3A_513, %get3A_521 : vector<16xf32>
      %swap3A_523 = arith.index_cast %mul3A_510 : i32 to index
      %swap3A_524 = tpu.vector_load %arg7[%swap3A_523] {strides = array<i32>} : memref<512xf32, #tpu.memory_space<vmem>>, vector<16xf32>,
      %swap3A_525 = vector.shape_cast %swap3A_524 : vector<16xf32> to vector<16xf32>
      %swap3A_526 = vector.shape_cast %add3A_522 : vector<16xf32> to vector<16xf32>
      tpu.vector_store %arg7[%swap3A_523], %swap3A_526 {strides = array<i32>} : memref<512xf32, #tpu.memory_space<vmem>>, vector<16xf32>,
      %scan3A_527 = arith.constant 0 : i32
      %scan3A_528 = arith.constant 9 : i32
      %mul3A_529 = arith.constant 16 : i32
      %mul3A_530 = arith.muli %scan3A_528, %mul3A_529 : i32
      %get3A_531 = arith.index_cast %mul3A_530 : i32 to index
      %get3A_532 = tpu.vector_load %arg7[%get3A_531] {strides = array<i32>} : memref<512xf32, #tpu.memory_space<vmem>>, vector<16xf32>,
      %get3A_533 = vector.shape_cast %get3A_532 : vector<16xf32> to vector<16xf32>
      %mul3A_534 = arith.constant 512 : i32
      %mul3A_535 = arith.muli %scan3A_346, %mul3A_534 : i32
      %mul3A_536 = arith.constant 16 : i32
      %mul3A_537 = arith.muli %scan3A_528, %mul3A_536 : i32
      %add3A_538 = arith.addi %mul3A_535, %mul3A_537 : i32
      %get3A_539 = arith.index_cast %add3A_538 : i32 to index
      %get3A_540 = tpu.vector_load %arg6[%get3A_539] {strides = array<i32>} : memref<13312xf32, #tpu.memory_space<vmem>>, vector<16xf32>,
      %get3A_541 = vector.shape_cast %get3A_540 : vector<16xf32> to vector<16xf32>
      %add3A_542 = arith.addf %get3A_533, %get3A_541 : vector<16xf32>
      %swap3A_543 = arith.index_cast %mul3A_530 : i32 to index
      %swap3A_544 = tpu.vector_load %arg7[%swap3A_543] {strides = array<i32>} : memref<512xf32, #tpu.memory_space<vmem>>, vector<16xf32>,
      %swap3A_545 = vector.shape_cast %swap3A_544 : vector<16xf32> to vector<16xf32>
      %swap3A_546 = vector.shape_cast %add3A_542 : vector<16xf32> to vector<16xf32>
      tpu.vector_store %arg7[%swap3A_543], %swap3A_546 {strides = array<i32>} : memref<512xf32, #tpu.memory_space<vmem>>, vector<16xf32>,
      %scan3A_547 = arith.constant 0 : i32
      %scan3A_548 = arith.constant 10 : i32
      %mul3A_549 = arith.constant 16 : i32
      %mul3A_550 = arith.muli %scan3A_548, %mul3A_549 : i32
      %get3A_551 = arith.index_cast %mul3A_550 : i32 to index
      %get3A_552 = tpu.vector_load %arg7[%get3A_551] {strides = array<i32>} : memref<512xf32, #tpu.memory_space<vmem>>, vector<16xf32>,
      %get3A_553 = vector.shape_cast %get3A_552 : vector<16xf32> to vector<16xf32>
      %mul3A_554 = arith.constant 512 : i32
      %mul3A_555 = arith.muli %scan3A_346, %mul3A_554 : i32
      %mul3A_556 = arith.constant 16 : i32
      %mul3A_557 = arith.muli %scan3A_548, %mul3A_556 : i32
      %add3A_558 = arith.addi %mul3A_555, %mul3A_557 : i32
      %get3A_559 = arith.index_cast %add3A_558 : i32 to index
      %get3A_560 = tpu.vector_load %arg6[%get3A_559] {strides = array<i32>} : memref<13312xf32, #tpu.memory_space<vmem>>, vector<16xf32>,
      %get3A_561 = vector.shape_cast %get3A_560 : vector<16xf32> to vector<16xf32>
      %add3A_562 = arith.addf %get3A_553, %get3A_561 : vector<16xf32>
      %swap3A_563 = arith.index_cast %mul3A_550 : i32 to index
      %swap3A_564 = tpu.vector_load %arg7[%swap3A_563] {strides = array<i32>} : memref<512xf32, #tpu.memory_space<vmem>>, vector<16xf32>,
      %swap3A_565 = vector.shape_cast %swap3A_564 : vector<16xf32> to vector<16xf32>
      %swap3A_566 = vector.shape_cast %add3A_562 : vector<16xf32> to vector<16xf32>
      tpu.vector_store %arg7[%swap3A_563], %swap3A_566 {strides = array<i32>} : memref<512xf32, #tpu.memory_space<vmem>>, vector<16xf32>,
      %scan3A_567 = arith.constant 0 : i32
      %scan3A_568 = arith.constant 11 : i32
      %mul3A_569 = arith.constant 16 : i32
      %mul3A_570 = arith.muli %scan3A_568, %mul3A_569 : i32
      %get3A_571 = arith.index_cast %mul3A_570 : i32 to index
      %get3A_572 = tpu.vector_load %arg7[%get3A_571] {strides = array<i32>} : memref<512xf32, #tpu.memory_space<vmem>>, vector<16xf32>,
      %get3A_573 = vector.shape_cast %get3A_572 : vector<16xf32> to vector<16xf32>
      %mul3A_574 = arith.constant 512 : i32
      %mul3A_575 = arith.muli %scan3A_346, %mul3A_574 : i32
      %mul3A_576 = arith.constant 16 : i32
      %mul3A_577 = arith.muli %scan3A_568, %mul3A_576 : i32
      %add3A_578 = arith.addi %mul3A_575, %mul3A_577 : i32
      %get3A_579 = arith.index_cast %add3A_578 : i32 to index
      %get3A_580 = tpu.vector_load %arg6[%get3A_579] {strides = array<i32>} : memref<13312xf32, #tpu.memory_space<vmem>>, vector<16xf32>,
      %get3A_581 = vector.shape_cast %get3A_580 : vector<16xf32> to vector<16xf32>
      %add3A_582 = arith.addf %get3A_573, %get3A_581 : vector<16xf32>
      %swap3A_583 = arith.index_cast %mul3A_570 : i32 to index
      %swap3A_584 = tpu.vector_load %arg7[%swap3A_583] {strides = array<i32>} : memref<512xf32, #tpu.memory_space<vmem>>, vector<16xf32>,
      %swap3A_585 = vector.shape_cast %swap3A_584 : vector<16xf32> to vector<16xf32>
      %swap3A_586 = vector.shape_cast %add3A_582 : vector<16xf32> to vector<16xf32>
      tpu.vector_store %arg7[%swap3A_583], %swap3A_586 {strides = array<i32>} : memref<512xf32, #tpu.memory_space<vmem>>, vector<16xf32>,
      %scan3A_587 = arith.constant 0 : i32
      %scan3A_588 = arith.constant 12 : i32
      %mul3A_589 = arith.constant 16 : i32
      %mul3A_590 = arith.muli %scan3A_588, %mul3A_589 : i32
      %get3A_591 = arith.index_cast %mul3A_590 : i32 to index
      %get3A_592 = tpu.vector_load %arg7[%get3A_591] {strides = array<i32>} : memref<512xf32, #tpu.memory_space<vmem>>, vector<16xf32>,
      %get3A_593 = vector.shape_cast %get3A_592 : vector<16xf32> to vector<16xf32>
      %mul3A_594 = arith.constant 512 : i32
      %mul3A_595 = arith.muli %scan3A_346, %mul3A_594 : i32
      %mul3A_596 = arith.constant 16 : i32
      %mul3A_597 = arith.muli %scan3A_588, %mul3A_596 : i32
      %add3A_598 = arith.addi %mul3A_595, %mul3A_597 : i32
      %get3A_599 = arith.index_cast %add3A_598 : i32 to index
      %get3A_600 = tpu.vector_load %arg6[%get3A_599] {strides = array<i32>} : memref<13312xf32, #tpu.memory_space<vmem>>, vector<16xf32>,
      %get3A_601 = vector.shape_cast %get3A_600 : vector<16xf32> to vector<16xf32>
      %add3A_602 = arith.addf %get3A_593, %get3A_601 : vector<16xf32>
      %swap3A_603 = arith.index_cast %mul3A_590 : i32 to index
      %swap3A_604 = tpu.vector_load %arg7[%swap3A_603] {strides = array<i32>} : memref<512xf32, #tpu.memory_space<vmem>>, vector<16xf32>,
      %swap3A_605 = vector.shape_cast %swap3A_604 : vector<16xf32> to vector<16xf32>
      %swap3A_606 = vector.shape_cast %add3A_602 : vector<16xf32> to vector<16xf32>
      tpu.vector_store %arg7[%swap3A_603], %swap3A_606 {strides = array<i32>} : memref<512xf32, #tpu.memory_space<vmem>>, vector<16xf32>,
      %scan3A_607 = arith.constant 0 : i32
      %scan3A_608 = arith.constant 13 : i32
      %mul3A_609 = arith.constant 16 : i32
      %mul3A_610 = arith.muli %scan3A_608, %mul3A_609 : i32
      %get3A_611 = arith.index_cast %mul3A_610 : i32 to index
      %get3A_612 = tpu.vector_load %arg7[%get3A_611] {strides = array<i32>} : memref<512xf32, #tpu.memory_space<vmem>>, vector<16xf32>,
      %get3A_613 = vector.shape_cast %get3A_612 : vector<16xf32> to vector<16xf32>
      %mul3A_614 = arith.constant 512 : i32
      %mul3A_615 = arith.muli %scan3A_346, %mul3A_614 : i32
      %mul3A_616 = arith.constant 16 : i32
      %mul3A_617 = arith.muli %scan3A_608, %mul3A_616 : i32
      %add3A_618 = arith.addi %mul3A_615, %mul3A_617 : i32
      %get3A_619 = arith.index_cast %add3A_618 : i32 to index
      %get3A_620 = tpu.vector_load %arg6[%get3A_619] {strides = array<i32>} : memref<13312xf32, #tpu.memory_space<vmem>>, vector<16xf32>,
      %get3A_621 = vector.shape_cast %get3A_620 : vector<16xf32> to vector<16xf32>
      %add3A_622 = arith.addf %get3A_613, %get3A_621 : vector<16xf32>
      %swap3A_623 = arith.index_cast %mul3A_610 : i32 to index
      %swap3A_624 = tpu.vector_load %arg7[%swap3A_623] {strides = array<i32>} : memref<512xf32, #tpu.memory_space<vmem>>, vector<16xf32>,
      %swap3A_625 = vector.shape_cast %swap3A_624 : vector<16xf32> to vector<16xf32>
      %swap3A_626 = vector.shape_cast %add3A_622 : vector<16xf32> to vector<16xf32>
      tpu.vector_store %arg7[%swap3A_623], %swap3A_626 {strides = array<i32>} : memref<512xf32, #tpu.memory_space<vmem>>, vector<16xf32>,
      %scan3A_627 = arith.constant 0 : i32
      %scan3A_628 = arith.constant 14 : i32
      %mul3A_629 = arith.constant 16 : i32
      %mul3A_630 = arith.muli %scan3A_628, %mul3A_629 : i32
      %get3A_631 = arith.index_cast %mul3A_630 : i32 to index
      %get3A_632 = tpu.vector_load %arg7[%get3A_631] {strides = array<i32>} : memref<512xf32, #tpu.memory_space<vmem>>, vector<16xf32>,
      %get3A_633 = vector.shape_cast %get3A_632 : vector<16xf32> to vector<16xf32>
      %mul3A_634 = arith.constant 512 : i32
      %mul3A_635 = arith.muli %scan3A_346, %mul3A_634 : i32
      %mul3A_636 = arith.constant 16 : i32
      %mul3A_637 = arith.muli %scan3A_628, %mul3A_636 : i32
      %add3A_638 = arith.addi %mul3A_635, %mul3A_637 : i32
      %get3A_639 = arith.index_cast %add3A_638 : i32 to index
      %get3A_640 = tpu.vector_load %arg6[%get3A_639] {strides = array<i32>} : memref<13312xf32, #tpu.memory_space<vmem>>, vector<16xf32>,
      %get3A_641 = vector.shape_cast %get3A_640 : vector<16xf32> to vector<16xf32>
      %add3A_642 = arith.addf %get3A_633, %get3A_641 : vector<16xf32>
      %swap3A_643 = arith.index_cast %mul3A_630 : i32 to index
      %swap3A_644 = tpu.vector_load %arg7[%swap3A_643] {strides = array<i32>} : memref<512xf32, #tpu.memory_space<vmem>>, vector<16xf32>,
      %swap3A_645 = vector.shape_cast %swap3A_644 : vector<16xf32> to vector<16xf32>
      %swap3A_646 = vector.shape_cast %add3A_642 : vector<16xf32> to vector<16xf32>
      tpu.vector_store %arg7[%swap3A_643], %swap3A_646 {strides = array<i32>} : memref<512xf32, #tpu.memory_space<vmem>>, vector<16xf32>,
      %scan3A_647 = arith.constant 0 : i32
      %scan3A_648 = arith.constant 15 : i32
      %mul3A_649 = arith.constant 16 : i32
      %mul3A_650 = arith.muli %scan3A_648, %mul3A_649 : i32
      %get3A_651 = arith.index_cast %mul3A_650 : i32 to index
      %get3A_652 = tpu.vector_load %arg7[%get3A_651] {strides = array<i32>} : memref<512xf32, #tpu.memory_space<vmem>>, vector<16xf32>,
      %get3A_653 = vector.shape_cast %get3A_652 : vector<16xf32> to vector<16xf32>
      %mul3A_654 = arith.constant 512 : i32
      %mul3A_655 = arith.muli %scan3A_346, %mul3A_654 : i32
      %mul3A_656 = arith.constant 16 : i32
      %mul3A_657 = arith.muli %scan3A_648, %mul3A_656 : i32
      %add3A_658 = arith.addi %mul3A_655, %mul3A_657 : i32
      %get3A_659 = arith.index_cast %add3A_658 : i32 to index
      %get3A_660 = tpu.vector_load %arg6[%get3A_659] {strides = array<i32>} : memref<13312xf32, #tpu.memory_space<vmem>>, vector<16xf32>,
      %get3A_661 = vector.shape_cast %get3A_660 : vector<16xf32> to vector<16xf32>
      %add3A_662 = arith.addf %get3A_653, %get3A_661 : vector<16xf32>
      %swap3A_663 = arith.index_cast %mul3A_650 : i32 to index
      %swap3A_664 = tpu.vector_load %arg7[%swap3A_663] {strides = array<i32>} : memref<512xf32, #tpu.memory_space<vmem>>, vector<16xf32>,
      %swap3A_665 = vector.shape_cast %swap3A_664 : vector<16xf32> to vector<16xf32>
      %swap3A_666 = vector.shape_cast %add3A_662 : vector<16xf32> to vector<16xf32>
      tpu.vector_store %arg7[%swap3A_663], %swap3A_666 {strides = array<i32>} : memref<512xf32, #tpu.memory_space<vmem>>, vector<16xf32>,
      %scan3A_667 = arith.constant 0 : i32
      %scan3A_668 = arith.constant 16 : i32
      %mul3A_669 = arith.constant 16 : i32
      %mul3A_670 = arith.muli %scan3A_668, %mul3A_669 : i32
      %get3A_671 = arith.index_cast %mul3A_670 : i32 to index
      %get3A_672 = tpu.vector_load %arg7[%get3A_671] {strides = array<i32>} : memref<512xf32, #tpu.memory_space<vmem>>, vector<16xf32>,
      %get3A_673 = vector.shape_cast %get3A_672 : vector<16xf32> to vector<16xf32>
      %mul3A_674 = arith.constant 512 : i32
      %mul3A_675 = arith.muli %scan3A_346, %mul3A_674 : i32
      %mul3A_676 = arith.constant 16 : i32
      %mul3A_677 = arith.muli %scan3A_668, %mul3A_676 : i32
      %add3A_678 = arith.addi %mul3A_675, %mul3A_677 : i32
      %get3A_679 = arith.index_cast %add3A_678 : i32 to index
      %get3A_680 = tpu.vector_load %arg6[%get3A_679] {strides = array<i32>} : memref<13312xf32, #tpu.memory_space<vmem>>, vector<16xf32>,
      %get3A_681 = vector.shape_cast %get3A_680 : vector<16xf32> to vector<16xf32>
      %add3A_682 = arith.addf %get3A_673, %get3A_681 : vector<16xf32>
      %swap3A_683 = arith.index_cast %mul3A_670 : i32 to index
      %swap3A_684 = tpu.vector_load %arg7[%swap3A_683] {strides = array<i32>} : memref<512xf32, #tpu.memory_space<vmem>>, vector<16xf32>,
      %swap3A_685 = vector.shape_cast %swap3A_684 : vector<16xf32> to vector<16xf32>
      %swap3A_686 = vector.shape_cast %add3A_682 : vector<16xf32> to vector<16xf32>
      tpu.vector_store %arg7[%swap3A_683], %swap3A_686 {strides = array<i32>} : memref<512xf32, #tpu.memory_space<vmem>>, vector<16xf32>,
      %scan3A_687 = arith.constant 0 : i32
      %scan3A_688 = arith.constant 17 : i32
      %mul3A_689 = arith.constant 16 : i32
      %mul3A_690 = arith.muli %scan3A_688, %mul3A_689 : i32
      %get3A_691 = arith.index_cast %mul3A_690 : i32 to index
      %get3A_692 = tpu.vector_load %arg7[%get3A_691] {strides = array<i32>} : memref<512xf32, #tpu.memory_space<vmem>>, vector<16xf32>,
      %get3A_693 = vector.shape_cast %get3A_692 : vector<16xf32> to vector<16xf32>
      %mul3A_694 = arith.constant 512 : i32
      %mul3A_695 = arith.muli %scan3A_346, %mul3A_694 : i32
      %mul3A_696 = arith.constant 16 : i32
      %mul3A_697 = arith.muli %scan3A_688, %mul3A_696 : i32
      %add3A_698 = arith.addi %mul3A_695, %mul3A_697 : i32
      %get3A_699 = arith.index_cast %add3A_698 : i32 to index
      %get3A_700 = tpu.vector_load %arg6[%get3A_699] {strides = array<i32>} : memref<13312xf32, #tpu.memory_space<vmem>>, vector<16xf32>,
      %get3A_701 = vector.shape_cast %get3A_700 : vector<16xf32> to vector<16xf32>
      %add3A_702 = arith.addf %get3A_693, %get3A_701 : vector<16xf32>
      %swap3A_703 = arith.index_cast %mul3A_690 : i32 to index
      %swap3A_704 = tpu.vector_load %arg7[%swap3A_703] {strides = array<i32>} : memref<512xf32, #tpu.memory_space<vmem>>, vector<16xf32>,
      %swap3A_705 = vector.shape_cast %swap3A_704 : vector<16xf32> to vector<16xf32>
      %swap3A_706 = vector.shape_cast %add3A_702 : vector<16xf32> to vector<16xf32>
      tpu.vector_store %arg7[%swap3A_703], %swap3A_706 {strides = array<i32>} : memref<512xf32, #tpu.memory_space<vmem>>, vector<16xf32>,
      %scan3A_707 = arith.constant 0 : i32
      %scan3A_708 = arith.constant 18 : i32
      %mul3A_709 = arith.constant 16 : i32
      %mul3A_710 = arith.muli %scan3A_708, %mul3A_709 : i32
      %get3A_711 = arith.index_cast %mul3A_710 : i32 to index
      %get3A_712 = tpu.vector_load %arg7[%get3A_711] {strides = array<i32>} : memref<512xf32, #tpu.memory_space<vmem>>, vector<16xf32>,
      %get3A_713 = vector.shape_cast %get3A_712 : vector<16xf32> to vector<16xf32>
      %mul3A_714 = arith.constant 512 : i32
      %mul3A_715 = arith.muli %scan3A_346, %mul3A_714 : i32
      %mul3A_716 = arith.constant 16 : i32
      %mul3A_717 = arith.muli %scan3A_708, %mul3A_716 : i32
      %add3A_718 = arith.addi %mul3A_715, %mul3A_717 : i32
      %get3A_719 = arith.index_cast %add3A_718 : i32 to index
      %get3A_720 = tpu.vector_load %arg6[%get3A_719] {strides = array<i32>} : memref<13312xf32, #tpu.memory_space<vmem>>, vector<16xf32>,
      %get3A_721 = vector.shape_cast %get3A_720 : vector<16xf32> to vector<16xf32>
      %add3A_722 = arith.addf %get3A_713, %get3A_721 : vector<16xf32>
      %swap3A_723 = arith.index_cast %mul3A_710 : i32 to index
      %swap3A_724 = tpu.vector_load %arg7[%swap3A_723] {strides = array<i32>} : memref<512xf32, #tpu.memory_space<vmem>>, vector<16xf32>,
      %swap3A_725 = vector.shape_cast %swap3A_724 : vector<16xf32> to vector<16xf32>
      %swap3A_726 = vector.shape_cast %add3A_722 : vector<16xf32> to vector<16xf32>
      tpu.vector_store %arg7[%swap3A_723], %swap3A_726 {strides = array<i32>} : memref<512xf32, #tpu.memory_space<vmem>>, vector<16xf32>,
      %scan3A_727 = arith.constant 0 : i32
      %scan3A_728 = arith.constant 19 : i32
      %mul3A_729 = arith.constant 16 : i32
      %mul3A_730 = arith.muli %scan3A_728, %mul3A_729 : i32
      %get3A_731 = arith.index_cast %mul3A_730 : i32 to index
      %get3A_732 = tpu.vector_load %arg7[%get3A_731] {strides = array<i32>} : memref<512xf32, #tpu.memory_space<vmem>>, vector<16xf32>,
      %get3A_733 = vector.shape_cast %get3A_732 : vector<16xf32> to vector<16xf32>
      %mul3A_734 = arith.constant 512 : i32
      %mul3A_735 = arith.muli %scan3A_346, %mul3A_734 : i32
      %mul3A_736 = arith.constant 16 : i32
      %mul3A_737 = arith.muli %scan3A_728, %mul3A_736 : i32
      %add3A_738 = arith.addi %mul3A_735, %mul3A_737 : i32
      %get3A_739 = arith.index_cast %add3A_738 : i32 to index
      %get3A_740 = tpu.vector_load %arg6[%get3A_739] {strides = array<i32>} : memref<13312xf32, #tpu.memory_space<vmem>>, vector<16xf32>,
      %get3A_741 = vector.shape_cast %get3A_740 : vector<16xf32> to vector<16xf32>
      %add3A_742 = arith.addf %get3A_733, %get3A_741 : vector<16xf32>
      %swap3A_743 = arith.index_cast %mul3A_730 : i32 to index
      %swap3A_744 = tpu.vector_load %arg7[%swap3A_743] {strides = array<i32>} : memref<512xf32, #tpu.memory_space<vmem>>, vector<16xf32>,
      %swap3A_745 = vector.shape_cast %swap3A_744 : vector<16xf32> to vector<16xf32>
      %swap3A_746 = vector.shape_cast %add3A_742 : vector<16xf32> to vector<16xf32>
      tpu.vector_store %arg7[%swap3A_743], %swap3A_746 {strides = array<i32>} : memref<512xf32, #tpu.memory_space<vmem>>, vector<16xf32>,
      %scan3A_747 = arith.constant 0 : i32
      %scan3A_748 = arith.constant 20 : i32
      %mul3A_749 = arith.constant 16 : i32
      %mul3A_750 = arith.muli %scan3A_748, %mul3A_749 : i32
      %get3A_751 = arith.index_cast %mul3A_750 : i32 to index
      %get3A_752 = tpu.vector_load %arg7[%get3A_751] {strides = array<i32>} : memref<512xf32, #tpu.memory_space<vmem>>, vector<16xf32>,
      %get3A_753 = vector.shape_cast %get3A_752 : vector<16xf32> to vector<16xf32>
      %mul3A_754 = arith.constant 512 : i32
      %mul3A_755 = arith.muli %scan3A_346, %mul3A_754 : i32
      %mul3A_756 = arith.constant 16 : i32
      %mul3A_757 = arith.muli %scan3A_748, %mul3A_756 : i32
      %add3A_758 = arith.addi %mul3A_755, %mul3A_757 : i32
      %get3A_759 = arith.index_cast %add3A_758 : i32 to index
      %get3A_760 = tpu.vector_load %arg6[%get3A_759] {strides = array<i32>} : memref<13312xf32, #tpu.memory_space<vmem>>, vector<16xf32>,
      %get3A_761 = vector.shape_cast %get3A_760 : vector<16xf32> to vector<16xf32>
      %add3A_762 = arith.addf %get3A_753, %get3A_761 : vector<16xf32>
      %swap3A_763 = arith.index_cast %mul3A_750 : i32 to index
      %swap3A_764 = tpu.vector_load %arg7[%swap3A_763] {strides = array<i32>} : memref<512xf32, #tpu.memory_space<vmem>>, vector<16xf32>,
      %swap3A_765 = vector.shape_cast %swap3A_764 : vector<16xf32> to vector<16xf32>
      %swap3A_766 = vector.shape_cast %add3A_762 : vector<16xf32> to vector<16xf32>
      tpu.vector_store %arg7[%swap3A_763], %swap3A_766 {strides = array<i32>} : memref<512xf32, #tpu.memory_space<vmem>>, vector<16xf32>,
      %scan3A_767 = arith.constant 0 : i32
      %scan3A_768 = arith.constant 21 : i32
      %mul3A_769 = arith.constant 16 : i32
      %mul3A_770 = arith.muli %scan3A_768, %mul3A_769 : i32
      %get3A_771 = arith.index_cast %mul3A_770 : i32 to index
      %get3A_772 = tpu.vector_load %arg7[%get3A_771] {strides = array<i32>} : memref<512xf32, #tpu.memory_space<vmem>>, vector<16xf32>,
      %get3A_773 = vector.shape_cast %get3A_772 : vector<16xf32> to vector<16xf32>
      %mul3A_774 = arith.constant 512 : i32
      %mul3A_775 = arith.muli %scan3A_346, %mul3A_774 : i32
      %mul3A_776 = arith.constant 16 : i32
      %mul3A_777 = arith.muli %scan3A_768, %mul3A_776 : i32
      %add3A_778 = arith.addi %mul3A_775, %mul3A_777 : i32
      %get3A_779 = arith.index_cast %add3A_778 : i32 to index
      %get3A_780 = tpu.vector_load %arg6[%get3A_779] {strides = array<i32>} : memref<13312xf32, #tpu.memory_space<vmem>>, vector<16xf32>,
      %get3A_781 = vector.shape_cast %get3A_780 : vector<16xf32> to vector<16xf32>
      %add3A_782 = arith.addf %get3A_773, %get3A_781 : vector<16xf32>
      %swap3A_783 = arith.index_cast %mul3A_770 : i32 to index
      %swap3A_784 = tpu.vector_load %arg7[%swap3A_783] {strides = array<i32>} : memref<512xf32, #tpu.memory_space<vmem>>, vector<16xf32>,
      %swap3A_785 = vector.shape_cast %swap3A_784 : vector<16xf32> to vector<16xf32>
      %swap3A_786 = vector.shape_cast %add3A_782 : vector<16xf32> to vector<16xf32>
      tpu.vector_store %arg7[%swap3A_783], %swap3A_786 {strides = array<i32>} : memref<512xf32, #tpu.memory_space<vmem>>, vector<16xf32>,
      %scan3A_787 = arith.constant 0 : i32
      %scan3A_788 = arith.constant 22 : i32
      %mul3A_789 = arith.constant 16 : i32
      %mul3A_790 = arith.muli %scan3A_788, %mul3A_789 : i32
      %get3A_791 = arith.index_cast %mul3A_790 : i32 to index
      %get3A_792 = tpu.vector_load %arg7[%get3A_791] {strides = array<i32>} : memref<512xf32, #tpu.memory_space<vmem>>, vector<16xf32>,
      %get3A_793 = vector.shape_cast %get3A_792 : vector<16xf32> to vector<16xf32>
      %mul3A_794 = arith.constant 512 : i32
      %mul3A_795 = arith.muli %scan3A_346, %mul3A_794 : i32
      %mul3A_796 = arith.constant 16 : i32
      %mul3A_797 = arith.muli %scan3A_788, %mul3A_796 : i32
      %add3A_798 = arith.addi %mul3A_795, %mul3A_797 : i32
      %get3A_799 = arith.index_cast %add3A_798 : i32 to index
      %get3A_800 = tpu.vector_load %arg6[%get3A_799] {strides = array<i32>} : memref<13312xf32, #tpu.memory_space<vmem>>, vector<16xf32>,
      %get3A_801 = vector.shape_cast %get3A_800 : vector<16xf32> to vector<16xf32>
      %add3A_802 = arith.addf %get3A_793, %get3A_801 : vector<16xf32>
      %swap3A_803 = arith.index_cast %mul3A_790 : i32 to index
      %swap3A_804 = tpu.vector_load %arg7[%swap3A_803] {strides = array<i32>} : memref<512xf32, #tpu.memory_space<vmem>>, vector<16xf32>,
      %swap3A_805 = vector.shape_cast %swap3A_804 : vector<16xf32> to vector<16xf32>
      %swap3A_806 = vector.shape_cast %add3A_802 : vector<16xf32> to vector<16xf32>
      tpu.vector_store %arg7[%swap3A_803], %swap3A_806 {strides = array<i32>} : memref<512xf32, #tpu.memory_space<vmem>>, vector<16xf32>,
      %scan3A_807 = arith.constant 0 : i32
      %scan3A_808 = arith.constant 23 : i32
      %mul3A_809 = arith.constant 16 : i32
      %mul3A_810 = arith.muli %scan3A_808, %mul3A_809 : i32
      %get3A_811 = arith.index_cast %mul3A_810 : i32 to index
      %get3A_812 = tpu.vector_load %arg7[%get3A_811] {strides = array<i32>} : memref<512xf32, #tpu.memory_space<vmem>>, vector<16xf32>,
      %get3A_813 = vector.shape_cast %get3A_812 : vector<16xf32> to vector<16xf32>
      %mul3A_814 = arith.constant 512 : i32
      %mul3A_815 = arith.muli %scan3A_346, %mul3A_814 : i32
      %mul3A_816 = arith.constant 16 : i32
      %mul3A_817 = arith.muli %scan3A_808, %mul3A_816 : i32
      %add3A_818 = arith.addi %mul3A_815, %mul3A_817 : i32
      %get3A_819 = arith.index_cast %add3A_818 : i32 to index
      %get3A_820 = tpu.vector_load %arg6[%get3A_819] {strides = array<i32>} : memref<13312xf32, #tpu.memory_space<vmem>>, vector<16xf32>,
      %get3A_821 = vector.shape_cast %get3A_820 : vector<16xf32> to vector<16xf32>
      %add3A_822 = arith.addf %get3A_813, %get3A_821 : vector<16xf32>
      %swap3A_823 = arith.index_cast %mul3A_810 : i32 to index
      %swap3A_824 = tpu.vector_load %arg7[%swap3A_823] {strides = array<i32>} : memref<512xf32, #tpu.memory_space<vmem>>, vector<16xf32>,
      %swap3A_825 = vector.shape_cast %swap3A_824 : vector<16xf32> to vector<16xf32>
      %swap3A_826 = vector.shape_cast %add3A_822 : vector<16xf32> to vector<16xf32>
      tpu.vector_store %arg7[%swap3A_823], %swap3A_826 {strides = array<i32>} : memref<512xf32, #tpu.memory_space<vmem>>, vector<16xf32>,
      %scan3A_827 = arith.constant 0 : i32
      %scan3A_828 = arith.constant 24 : i32
      %mul3A_829 = arith.constant 16 : i32
      %mul3A_830 = arith.muli %scan3A_828, %mul3A_829 : i32
      %get3A_831 = arith.index_cast %mul3A_830 : i32 to index
      %get3A_832 = tpu.vector_load %arg7[%get3A_831] {strides = array<i32>} : memref<512xf32, #tpu.memory_space<vmem>>, vector<16xf32>,
      %get3A_833 = vector.shape_cast %get3A_832 : vector<16xf32> to vector<16xf32>
      %mul3A_834 = arith.constant 512 : i32
      %mul3A_835 = arith.muli %scan3A_346, %mul3A_834 : i32
      %mul3A_836 = arith.constant 16 : i32
      %mul3A_837 = arith.muli %scan3A_828, %mul3A_836 : i32
      %add3A_838 = arith.addi %mul3A_835, %mul3A_837 : i32
      %get3A_839 = arith.index_cast %add3A_838 : i32 to index
      %get3A_840 = tpu.vector_load %arg6[%get3A_839] {strides = array<i32>} : memref<13312xf32, #tpu.memory_space<vmem>>, vector<16xf32>,
      %get3A_841 = vector.shape_cast %get3A_840 : vector<16xf32> to vector<16xf32>
      %add3A_842 = arith.addf %get3A_833, %get3A_841 : vector<16xf32>
      %swap3A_843 = arith.index_cast %mul3A_830 : i32 to index
      %swap3A_844 = tpu.vector_load %arg7[%swap3A_843] {strides = array<i32>} : memref<512xf32, #tpu.memory_space<vmem>>, vector<16xf32>,
      %swap3A_845 = vector.shape_cast %swap3A_844 : vector<16xf32> to vector<16xf32>
      %swap3A_846 = vector.shape_cast %add3A_842 : vector<16xf32> to vector<16xf32>
      tpu.vector_store %arg7[%swap3A_843], %swap3A_846 {strides = array<i32>} : memref<512xf32, #tpu.memory_space<vmem>>, vector<16xf32>,
      %scan3A_847 = arith.constant 0 : i32
      %scan3A_848 = arith.constant 25 : i32
      %mul3A_849 = arith.constant 16 : i32
      %mul3A_850 = arith.muli %scan3A_848, %mul3A_849 : i32
      %get3A_851 = arith.index_cast %mul3A_850 : i32 to index
      %get3A_852 = tpu.vector_load %arg7[%get3A_851] {strides = array<i32>} : memref<512xf32, #tpu.memory_space<vmem>>, vector<16xf32>,
      %get3A_853 = vector.shape_cast %get3A_852 : vector<16xf32> to vector<16xf32>
      %mul3A_854 = arith.constant 512 : i32
      %mul3A_855 = arith.muli %scan3A_346, %mul3A_854 : i32
      %mul3A_856 = arith.constant 16 : i32
      %mul3A_857 = arith.muli %scan3A_848, %mul3A_856 : i32
      %add3A_858 = arith.addi %mul3A_855, %mul3A_857 : i32
      %get3A_859 = arith.index_cast %add3A_858 : i32 to index
      %get3A_860 = tpu.vector_load %arg6[%get3A_859] {strides = array<i32>} : memref<13312xf32, #tpu.memory_space<vmem>>, vector<16xf32>,
      %get3A_861 = vector.shape_cast %get3A_860 : vector<16xf32> to vector<16xf32>
      %add3A_862 = arith.addf %get3A_853, %get3A_861 : vector<16xf32>
      %swap3A_863 = arith.index_cast %mul3A_850 : i32 to index
      %swap3A_864 = tpu.vector_load %arg7[%swap3A_863] {strides = array<i32>} : memref<512xf32, #tpu.memory_space<vmem>>, vector<16xf32>,
      %swap3A_865 = vector.shape_cast %swap3A_864 : vector<16xf32> to vector<16xf32>
      %swap3A_866 = vector.shape_cast %add3A_862 : vector<16xf32> to vector<16xf32>
      tpu.vector_store %arg7[%swap3A_863], %swap3A_866 {strides = array<i32>} : memref<512xf32, #tpu.memory_space<vmem>>, vector<16xf32>,
      %scan3A_867 = arith.constant 0 : i32
      %scan3A_868 = arith.constant 26 : i32
      %mul3A_869 = arith.constant 16 : i32
      %mul3A_870 = arith.muli %scan3A_868, %mul3A_869 : i32
      %get3A_871 = arith.index_cast %mul3A_870 : i32 to index
      %get3A_872 = tpu.vector_load %arg7[%get3A_871] {strides = array<i32>} : memref<512xf32, #tpu.memory_space<vmem>>, vector<16xf32>,
      %get3A_873 = vector.shape_cast %get3A_872 : vector<16xf32> to vector<16xf32>
      %mul3A_874 = arith.constant 512 : i32
      %mul3A_875 = arith.muli %scan3A_346, %mul3A_874 : i32
      %mul3A_876 = arith.constant 16 : i32
      %mul3A_877 = arith.muli %scan3A_868, %mul3A_876 : i32
      %add3A_878 = arith.addi %mul3A_875, %mul3A_877 : i32
      %get3A_879 = arith.index_cast %add3A_878 : i32 to index
      %get3A_880 = tpu.vector_load %arg6[%get3A_879] {strides = array<i32>} : memref<13312xf32, #tpu.memory_space<vmem>>, vector<16xf32>,
      %get3A_881 = vector.shape_cast %get3A_880 : vector<16xf32> to vector<16xf32>
      %add3A_882 = arith.addf %get3A_873, %get3A_881 : vector<16xf32>
      %swap3A_883 = arith.index_cast %mul3A_870 : i32 to index
      %swap3A_884 = tpu.vector_load %arg7[%swap3A_883] {strides = array<i32>} : memref<512xf32, #tpu.memory_space<vmem>>, vector<16xf32>,
      %swap3A_885 = vector.shape_cast %swap3A_884 : vector<16xf32> to vector<16xf32>
      %swap3A_886 = vector.shape_cast %add3A_882 : vector<16xf32> to vector<16xf32>
      tpu.vector_store %arg7[%swap3A_883], %swap3A_886 {strides = array<i32>} : memref<512xf32, #tpu.memory_space<vmem>>, vector<16xf32>,
      %scan3A_887 = arith.constant 0 : i32
      %scan3A_888 = arith.constant 27 : i32
      %mul3A_889 = arith.constant 16 : i32
      %mul3A_890 = arith.muli %scan3A_888, %mul3A_889 : i32
      %get3A_891 = arith.index_cast %mul3A_890 : i32 to index
      %get3A_892 = tpu.vector_load %arg7[%get3A_891] {strides = array<i32>} : memref<512xf32, #tpu.memory_space<vmem>>, vector<16xf32>,
      %get3A_893 = vector.shape_cast %get3A_892 : vector<16xf32> to vector<16xf32>
      %mul3A_894 = arith.constant 512 : i32
      %mul3A_895 = arith.muli %scan3A_346, %mul3A_894 : i32
      %mul3A_896 = arith.constant 16 : i32
      %mul3A_897 = arith.muli %scan3A_888, %mul3A_896 : i32
      %add3A_898 = arith.addi %mul3A_895, %mul3A_897 : i32
      %get3A_899 = arith.index_cast %add3A_898 : i32 to index
      %get3A_900 = tpu.vector_load %arg6[%get3A_899] {strides = array<i32>} : memref<13312xf32, #tpu.memory_space<vmem>>, vector<16xf32>,
      %get3A_901 = vector.shape_cast %get3A_900 : vector<16xf32> to vector<16xf32>
      %add3A_902 = arith.addf %get3A_893, %get3A_901 : vector<16xf32>
      %swap3A_903 = arith.index_cast %mul3A_890 : i32 to index
      %swap3A_904 = tpu.vector_load %arg7[%swap3A_903] {strides = array<i32>} : memref<512xf32, #tpu.memory_space<vmem>>, vector<16xf32>,
      %swap3A_905 = vector.shape_cast %swap3A_904 : vector<16xf32> to vector<16xf32>
      %swap3A_906 = vector.shape_cast %add3A_902 : vector<16xf32> to vector<16xf32>
      tpu.vector_store %arg7[%swap3A_903], %swap3A_906 {strides = array<i32>} : memref<512xf32, #tpu.memory_space<vmem>>, vector<16xf32>,
      %scan3A_907 = arith.constant 0 : i32
      %scan3A_908 = arith.constant 28 : i32
      %mul3A_909 = arith.constant 16 : i32
      %mul3A_910 = arith.muli %scan3A_908, %mul3A_909 : i32
      %get3A_911 = arith.index_cast %mul3A_910 : i32 to index
      %get3A_912 = tpu.vector_load %arg7[%get3A_911] {strides = array<i32>} : memref<512xf32, #tpu.memory_space<vmem>>, vector<16xf32>,
      %get3A_913 = vector.shape_cast %get3A_912 : vector<16xf32> to vector<16xf32>
      %mul3A_914 = arith.constant 512 : i32
      %mul3A_915 = arith.muli %scan3A_346, %mul3A_914 : i32
      %mul3A_916 = arith.constant 16 : i32
      %mul3A_917 = arith.muli %scan3A_908, %mul3A_916 : i32
      %add3A_918 = arith.addi %mul3A_915, %mul3A_917 : i32
      %get3A_919 = arith.index_cast %add3A_918 : i32 to index
      %get3A_920 = tpu.vector_load %arg6[%get3A_919] {strides = array<i32>} : memref<13312xf32, #tpu.memory_space<vmem>>, vector<16xf32>,
      %get3A_921 = vector.shape_cast %get3A_920 : vector<16xf32> to vector<16xf32>
      %add3A_922 = arith.addf %get3A_913, %get3A_921 : vector<16xf32>
      %swap3A_923 = arith.index_cast %mul3A_910 : i32 to index
      %swap3A_924 = tpu.vector_load %arg7[%swap3A_923] {strides = array<i32>} : memref<512xf32, #tpu.memory_space<vmem>>, vector<16xf32>,
      %swap3A_925 = vector.shape_cast %swap3A_924 : vector<16xf32> to vector<16xf32>
      %swap3A_926 = vector.shape_cast %add3A_922 : vector<16xf32> to vector<16xf32>
      tpu.vector_store %arg7[%swap3A_923], %swap3A_926 {strides = array<i32>} : memref<512xf32, #tpu.memory_space<vmem>>, vector<16xf32>,
      %scan3A_927 = arith.constant 0 : i32
      %scan3A_928 = arith.constant 29 : i32
      %mul3A_929 = arith.constant 16 : i32
      %mul3A_930 = arith.muli %scan3A_928, %mul3A_929 : i32
      %get3A_931 = arith.index_cast %mul3A_930 : i32 to index
      %get3A_932 = tpu.vector_load %arg7[%get3A_931] {strides = array<i32>} : memref<512xf32, #tpu.memory_space<vmem>>, vector<16xf32>,
      %get3A_933 = vector.shape_cast %get3A_932 : vector<16xf32> to vector<16xf32>
      %mul3A_934 = arith.constant 512 : i32
      %mul3A_935 = arith.muli %scan3A_346, %mul3A_934 : i32
      %mul3A_936 = arith.constant 16 : i32
      %mul3A_937 = arith.muli %scan3A_928, %mul3A_936 : i32
      %add3A_938 = arith.addi %mul3A_935, %mul3A_937 : i32
      %get3A_939 = arith.index_cast %add3A_938 : i32 to index
      %get3A_940 = tpu.vector_load %arg6[%get3A_939] {strides = array<i32>} : memref<13312xf32, #tpu.memory_space<vmem>>, vector<16xf32>,
      %get3A_941 = vector.shape_cast %get3A_940 : vector<16xf32> to vector<16xf32>
      %add3A_942 = arith.addf %get3A_933, %get3A_941 : vector<16xf32>
      %swap3A_943 = arith.index_cast %mul3A_930 : i32 to index
      %swap3A_944 = tpu.vector_load %arg7[%swap3A_943] {strides = array<i32>} : memref<512xf32, #tpu.memory_space<vmem>>, vector<16xf32>,
      %swap3A_945 = vector.shape_cast %swap3A_944 : vector<16xf32> to vector<16xf32>
      %swap3A_946 = vector.shape_cast %add3A_942 : vector<16xf32> to vector<16xf32>
      tpu.vector_store %arg7[%swap3A_943], %swap3A_946 {strides = array<i32>} : memref<512xf32, #tpu.memory_space<vmem>>, vector<16xf32>,
      %scan3A_947 = arith.constant 0 : i32
      %scan3A_948 = arith.constant 30 : i32
      %mul3A_949 = arith.constant 16 : i32
      %mul3A_950 = arith.muli %scan3A_948, %mul3A_949 : i32
      %get3A_951 = arith.index_cast %mul3A_950 : i32 to index
      %get3A_952 = tpu.vector_load %arg7[%get3A_951] {strides = array<i32>} : memref<512xf32, #tpu.memory_space<vmem>>, vector<16xf32>,
      %get3A_953 = vector.shape_cast %get3A_952 : vector<16xf32> to vector<16xf32>
      %mul3A_954 = arith.constant 512 : i32
      %mul3A_955 = arith.muli %scan3A_346, %mul3A_954 : i32
      %mul3A_956 = arith.constant 16 : i32
      %mul3A_957 = arith.muli %scan3A_948, %mul3A_956 : i32
      %add3A_958 = arith.addi %mul3A_955, %mul3A_957 : i32
      %get3A_959 = arith.index_cast %add3A_958 : i32 to index
      %get3A_960 = tpu.vector_load %arg6[%get3A_959] {strides = array<i32>} : memref<13312xf32, #tpu.memory_space<vmem>>, vector<16xf32>,
      %get3A_961 = vector.shape_cast %get3A_960 : vector<16xf32> to vector<16xf32>
      %add3A_962 = arith.addf %get3A_953, %get3A_961 : vector<16xf32>
      %swap3A_963 = arith.index_cast %mul3A_950 : i32 to index
      %swap3A_964 = tpu.vector_load %arg7[%swap3A_963] {strides = array<i32>} : memref<512xf32, #tpu.memory_space<vmem>>, vector<16xf32>,
      %swap3A_965 = vector.shape_cast %swap3A_964 : vector<16xf32> to vector<16xf32>
      %swap3A_966 = vector.shape_cast %add3A_962 : vector<16xf32> to vector<16xf32>
      tpu.vector_store %arg7[%swap3A_963], %swap3A_966 {strides = array<i32>} : memref<512xf32, #tpu.memory_space<vmem>>, vector<16xf32>,
      %scan3A_967 = arith.constant 0 : i32
      %scan3A_968 = arith.constant 31 : i32
      %mul3A_969 = arith.constant 16 : i32
      %mul3A_970 = arith.muli %scan3A_968, %mul3A_969 : i32
      %get3A_971 = arith.index_cast %mul3A_970 : i32 to index
      %get3A_972 = tpu.vector_load %arg7[%get3A_971] {strides = array<i32>} : memref<512xf32, #tpu.memory_space<vmem>>, vector<16xf32>,
      %get3A_973 = vector.shape_cast %get3A_972 : vector<16xf32> to vector<16xf32>
      %mul3A_974 = arith.constant 512 : i32
      %mul3A_975 = arith.muli %scan3A_346, %mul3A_974 : i32
      %mul3A_976 = arith.constant 16 : i32
      %mul3A_977 = arith.muli %scan3A_968, %mul3A_976 : i32
      %add3A_978 = arith.addi %mul3A_975, %mul3A_977 : i32
      %get3A_979 = arith.index_cast %add3A_978 : i32 to index
      %get3A_980 = tpu.vector_load %arg6[%get3A_979] {strides = array<i32>} : memref<13312xf32, #tpu.memory_space<vmem>>, vector<16xf32>,
      %get3A_981 = vector.shape_cast %get3A_980 : vector<16xf32> to vector<16xf32>
      %add3A_982 = arith.addf %get3A_973, %get3A_981 : vector<16xf32>
      %swap3A_983 = arith.index_cast %mul3A_970 : i32 to index
      %swap3A_984 = tpu.vector_load %arg7[%swap3A_983] {strides = array<i32>} : memref<512xf32, #tpu.memory_space<vmem>>, vector<16xf32>,
      %swap3A_985 = vector.shape_cast %swap3A_984 : vector<16xf32> to vector<16xf32>
      %swap3A_986 = vector.shape_cast %add3A_982 : vector<16xf32> to vector<16xf32>
      tpu.vector_store %arg7[%swap3A_983], %swap3A_986 {strides = array<i32>} : memref<512xf32, #tpu.memory_space<vmem>>, vector<16xf32>,
      %scan3A_987 = arith.constant 0 : i32
      %scan3A_988 = arith.constant 32 : i32
      %scan3A_989 = arith.constant 0 : i32
      scf.yield %scan3A_989 : i32
    }
    %scan3A_345 = arith.constant 26 : i32
    "tpu.region"() ({
      %run_scoped3A = tpu.sem_alloc : memref<!tpu.dma_semaphore, #tpu.memory_space<semaphore_mem>>
      %dma_start3A = tpu.memref_slice %arg4[%mul3A_2] : memref<16384xf32, #tpu.memory_space<hbm>> -> memref<512xf32, #tpu.memory_space<hbm>>
      %dma_start3A_346 = tpu.memref_slice %arg4[%mul3A_2] : memref<16384xf32, #tpu.memory_space<hbm>> -> memref<512xf32, #tpu.memory_space<hbm>>
      tpu.enqueue_dma source(%arg7 : memref<512xf32, #tpu.memory_space<vmem>>) target(%dma_start3A_346 : memref<512xf32, #tpu.memory_space<hbm>>) target_semaphore(%run_scoped3A : memref<!tpu.dma_semaphore, #tpu.memory_space<semaphore_mem>>)
      %dma_wait3A_347 = tpu.memref_slice %arg4[%mul3A_2] : memref<16384xf32, #tpu.memory_space<hbm>> -> memref<512xf32, #tpu.memory_space<hbm>>
      %dma_wait3A_348 = tpu.memref_slice %arg4[%mul3A_2] : memref<16384xf32, #tpu.memory_space<hbm>> -> memref<512xf32, #tpu.memory_space<hbm>>
      tpu.wait_dma2 semaphore(%run_scoped3A : memref<!tpu.dma_semaphore, #tpu.memory_space<semaphore_mem>>) src(%arg7 : memref<512xf32, #tpu.memory_space<vmem>>) dst(%dma_wait3A_348 : memref<512xf32, #tpu.memory_space<hbm>>)
      tpu.yield
    }) : () -> ()
    return
  }
}

</mosaic_0001>

<sc_bundles>
// kernel: _sc_gather_sum.3.cloned.1.call-start
scs
__scs_entry_jumppad:
0x0: {  	(pc) =	sbr.rel $0x88, $3  }
0x1: {  	(tag) =	ssettag $0x0;
	lr =	simm.s32 $0x1  }
0x2: {  	[smem:$0x3F9F] =	sst lr;
	_ =	strace $0xD0000000  }
0x3: {  	_ = 	snop  }
0x4: {  	_ = 	snop  }
0x5: {  	_ = 	snop  }
0x6: {  	_ = 	snop  }
0x7: {  	_ = 	snop  }
__scs_overlays_trampoline_lowered:
0x8: {  	[smem:$0x3FAE] =	sst s0  }
0x9: {  	[smem:$0x3FAF] =	sst s1  }
0xa: {  	[smem:$0x3FB0] =	sst s2  }
0xb: {  	[smem:$0x3FB1] =	sst s3  }
0xc: {  	[smem:$0x3FB2] =	sst s4  }
0xd: {  	[smem:$0x3FB3] =	sst s5  }
0xe: {  	[smem:$0x3FB4] =	sst s6  }
0xf: {  	[smem:$0x3FB5] =	sst s7  }
0x10: {  	[smem:$0x3FB6] =	sst s8  }
0x11: {  	[smem:$0x3FB7] =	sst s9;
	s0 =	simm.s32 @!p0 $0x0  }
0x12: {  	s1 =	sld [smem:$0x3F9D];
	s0 =	simm.s32 @p0 $0x1  }
0x13: {  	[smem:$0x3FB8] =	sst s0;
	s0 =	simm.s32 @!p1 $0x0  }
0x14: {  	s2 =	sld [smem:$0x3F9C];
	s0 =	simm.s32 @p1 $0x1  }
0x15: {  	[smem:$0x3FB9] =	sst s0;
	s0 =	simm.s32 @!p2 $0x0  }
0x16: {  	s3 =	sld [smem:$0x3FDB];
	s0 =	simm.s32 @p2 $0x1  }
0x17: {  	s4 =	simm.s32 $0x1BF5;
	[smem:$0x3FBB] =	sst s0  }
0x18: {  	s0 =	sld [smem:$0x3F9E];
	_ =	swait.ge [sflag:s4], $0x0  }
0x19: {  	s7 =	sld [smem:$0x3F9F]  }
0x1a: {  	s8 =	sadd.s32 $0xFFFFE003, lr  }
0x1b: {  	s9 =	sadd.s32 $0xFFFFFEF7, lr;
	s5 =	simm.s32 $0xFFFFFFFF;
	p2 =	slt.u32 s8, $0xFFFFF086  }
0x1c: {  	p1 =	slt.u32 s9, $0xF7A;
	s5 =	simm.s32 @!p2 $0x0  }
0x1d: {  	s5 =	simm.s32 @p1 $0x1;
	p0 =	seq.s32 s7, s2  }
0x1e: {  	s7 =	smul.u32 @!p0 $0xF7A, s2;
	p2 =	seq.s32 @!p0 s5, $0x0  }
0x1f: {  	s9 =	smul.u32 $0xF7A, s1;
	s8 =	simm.s32 @!p0 $0x1BF5;
	p2 =	por !p2, p0  }
0x20: {  	[sflag:s8] =	ssyncset.s32 @!p0 $0xFFFFF086;
	s6 =	sadd.s32 @!p0 s3, s7;
	s7 =	simm.s32 @!p0 $0x108  }
0x21: {  	s3 =	sadd.s32 s3, s9;
	s6 =	sadd.s32 @!p0 $0x88, s6;
	s7 =	simm.s32 @p2 $0x1082  }
0x22: {  	[simem:s7], [sflag:s8] =	dma.local @!p0 [hbm:s6], $0xF7A  }
0x23: {  	s9 =	sor.u32 $0xD0000000, s2;
	s6 =	simm.s32 $0x108;
	_ =	swait.ge @!p0 [sflag:s8], $0x0  }
0x24: {  	s3 =	sadd.s32 $0x88, s3;
	s6 =	simm.s32 @!p1 $0x1082;
	[sflag:s4] =	ssyncset.s32 $0xFFFFF086  }
0x25: {  	[simem:s6], [sflag:s4] =	dma.local [hbm:s3], $0xF7A  }
0x26: {  	[smem:$0x3F9F] =	sst s1;
	(tag) =	ssettag s2;
	_ =	strace s9  }
0x27: {  	s1 =	sld [smem:$0x3FAF]  }
0x28: {  	s2 =	sld [smem:$0x3FB0]  }
0x29: {  	s4 =	sld [smem:$0x3FB2]  }
0x2a: {  	p0 =	seq.s32 s5, $0x0;
	s5 =	sld [smem:$0x3FB3]  }
0x2b: {  	s6 =	sld [smem:$0x3FB4]  }
0x2c: {  	s7 =	sld [smem:$0x3FB5]  }
0x2d: {  	s3 =	simm.s32 $0x108;
	s8 =	sld [smem:$0x3FB6]  }
0x2e: {  	s3 =	simm.s32 @!p0 $0x1082;
	s9 =	sld [smem:$0x3FB7]  }
0x2f: {  	lr =	sadd.s32 s0, s3;
	s0 =	sld [smem:$0x3FAE]  }
0x30: {  	s3 =	sld [smem:$0x3FB1]  }
0x31: {  	[smem:$0x3FBA] =	sst s10  }
0x32: {  	s10 =	sld [smem:$0x3FB8];
	_ =	sdelay $0x3  }
0x33: {  	p0 =	seq.s32 s10, $0x1;
	s10 =	sld [smem:$0x3FBA];
	_ =	sdelay $0x3  }
0x34: {  	[smem:$0x3FBA] =	sst s10  }
0x35: {  	s10 =	sld [smem:$0x3FB9];
	_ =	sdelay $0x3  }
0x36: {  	p1 =	seq.s32 s10, $0x1;
	s10 =	sld [smem:$0x3FBA];
	_ =	sdelay $0x3  }
0x37: {  	[smem:$0x3FBA] =	sst s10  }
0x38: {  	s10 =	sld [smem:$0x3FBB]  }
0x39: {  	_ = 	snop;
	(pc) =	sbr.ind lr, $3  }
0x3a: {  	_ = 	snop  }
0x3b: {  	_ = 	snop  }
0x3c: {  	p2 =	seq.s32 s10, $0x1;
	s10 =	sld [smem:$0x3FBA]  }
0x3d: {  	_ =	shalt  }
0x3e: {  	_ =	shalt  }
0x3f: {  	_ =	shalt  }
0x40: {  	_ =	shalt  }
0x41: {  	_ =	shalt  }
0x42: {  	_ =	shalt  }
0x43: {  	_ =	shalt  }
0x44: {  	_ =	shalt  }
0x45: {  	_ =	shalt  }
0x46: {  	_ =	shalt  }
0x47: {  	_ =	shalt  }
0x48: {  	_ =	shalt  }
0x49: {  	_ =	shalt  }
0x4a: {  	_ =	shalt  }
0x4b: {  	_ =	shalt  }
0x4c: {  	_ =	shalt  }
0x4d: {  	_ =	shalt  }
0x4e: {  	_ =	shalt  }
0x4f: {  	_ =	shalt  }
0x50: {  	_ =	shalt  }
0x51: {  	_ =	shalt  }
0x52: {  	_ =	shalt  }
0x53: {  	_ =	shalt  }
0x54: {  	_ =	shalt  }
0x55: {  	_ =	shalt  }
0x56: {  	_ =	shalt  }
0x57: {  	_ =	shalt  }
0x58: {  	_ =	shalt  }
0x59: {  	_ =	shalt  }
0x5a: {  	_ =	shalt  }
0x5b: {  	_ =	shalt  }
0x5c: {  	_ =	shalt  }
0x5d: {  	_ =	shalt  }
0x5e: {  	_ =	shalt  }
0x5f: {  	_ =	shalt  }
0x60: {  	_ =	shalt  }
0x61: {  	_ =	shalt  }
0x62: {  	_ =	shalt  }
0x63: {  	_ =	shalt  }
0x64: {  	_ =	shalt  }
0x65: {  	_ =	shalt  }
0x66: {  	_ =	shalt  }
0x67: {  	_ =	shalt  }
0x68: {  	_ =	shalt  }
0x69: {  	_ =	shalt  }
0x6a: {  	_ =	shalt  }
0x6b: {  	_ =	shalt  }
0x6c: {  	_ =	shalt  }
0x6d: {  	_ =	shalt  }
0x6e: {  	_ =	shalt  }
0x6f: {  	_ =	shalt  }
0x70: {  	_ =	shalt  }
0x71: {  	_ =	shalt  }
0x72: {  	_ =	shalt  }
0x73: {  	_ =	shalt  }
0x74: {  	_ =	shalt  }
0x75: {  	_ =	shalt  }
0x76: {  	_ =	shalt  }
0x77: {  	_ =	shalt  }
0x78: {  	_ =	shalt  }
0x79: {  	_ =	shalt  }
0x7a: {  	_ =	shalt  }
0x7b: {  	_ =	shalt  }
0x7c: {  	_ =	shalt  }
0x7d: {  	_ =	shalt  }
0x7e: {  	_ =	shalt  }
0x7f: {  	_ =	shalt  }
0x80: {  	_ =	shalt  }
0x81: {  	_ =	shalt  }
0x82: {  	_ =	shalt  }
0x83: {  	_ =	shalt  }
0x84: {  	_ =	shalt  }
0x85: {  	_ =	shalt  }
0x86: {  	_ =	shalt  }
0x87: {  	_ =	shalt  }
.Lfunc_end0:
.L_simem_size_0:
called_computation_lowered:
.L_overlay_start_0:
0x88: {  	s2 =	sld [smem:$0x3FD9]  }
0x89: {  	s3 =	sld [smem:$0x3FFE];
	_ =	sdelay $0x1  }
0x8a: {  	s1 =	srdreg.scid  }
0x8b: {  	s0 =	sand.u32 $0x1, s1  }
0x8c: {  	s18 =	sshll.u32 s0, $0xA;
	s2 =	sadd.s32 s3, s2  }
0x8d: {  	s2 =	sadd.s32 s2, s18  }
0x8e: {  	[smem:$0x3FC6] =	sst s2  }
0x8f: {  	_ = 	snop  }
0x90: {  	s2 =	sld [smem:$0x3FC9]  }
0x91: {  	s19 =	sld [smem:$0x3FC8]  }
0x92: {  	s4 =	sld [smem:$0x3FD0];
	(tm) =	ssettm $0x1  }
0x93: {  	s5 =	sld [smem:$0x3FFB];
	_ =	sdelay $0x3  }
0x94: {  	_ =	strace s5  }
0x95: {  	s5 =	sld [smem:$0x3FFC];
	_ =	sdelay $0x3  }
0x96: {  	_ =	strace s5  }
0x97: {  	s5 =	sld [smem:$0x3FFD];
	_ =	sdelay $0x3  }
0x98: {  	_ =	strace s5  }
0x99: {  	_ =	strace $0x8FFFFFFF  }
0x9a: {  	s20 =	sld [smem:$0x3FDB];
	_ =	sdelay $0x1  }
0x9b: {  	s6 =	simm.s32 $_scs_section_size  }
0x9c: {  	s7 =	simm.s32 $_size__tile_overlayer_lowered;
	s8 =	simm.s32 $_tile_overlayer_lowered  }
0x9d: {  	s23 =	simm.s32 $0x1BFF;
	s22 =	sshll.u32 s8, $0x1;
	s5 =	sadd.s32 s6, s20  }
0x9e: {  	s9 =	simm.s32 $0x0;
	s21 =	sshll.u32 s7, $0x1;
	s7 =	sadd.s32 s22, s5  }
0x9f: {  	[timem:s9], [sflag:s23] =	dma.local [hbm:s7], s21  }
0xa0: {  	_ =	swait.ge [sflag:s23], s21  }
0xa1: {  	s6 =	ssub.s32 $0x0, s21;
	[sflag:s23] =	ssyncset.done $0x0  }
0xa2: {  	[sflag:s23] =	ssyncadd.s32 s6;
	_ =	sdelay $0x1  }
0xa3: {  	s24 =	simm.s32 $0x1B8B  }
0xa4: {  	_ =	swait.ge [sflag:s24], $0x1  }
0xa5: {  	[sflag:s24] =	ssyncset.done $0x0  }
0xa6: {  	s25 =	simm.s32 $0x1B8E;
	[sflag:s24] =	ssyncadd.s32 $0xFFFFFFFF  }
0xa7: {  	s26 =	simm.s32 $execute0_lowered;
	[smem:$0x3FD2] =	sst s25  }
0xa8: {  	s6 =	sshll.u32 s26, $0x1;
	_ =	strace $0x80000046;
	[dreg:$0x1] =	wrdreg $0xFFFFFFFF  }
0xa9: {  	s28 =	simm.s32 $_size_execute0_lowered;
	s5 =	sadd.s32 s5, s6;
	[dreg:$0x0] =	wrdreg $0x0  }
0xaa: {  	s6 =	sshll.u32 s28, $0x1;
	[dreg:$0x2] =	wrdreg s5  }
0xab: {  	[dreg:$0x3] =	wrdreg s6  }
0xac: {  	[dreg:$0x4] =	wrdreg $0xC0  }
0xad: {  	_ =	task [dreg:s9], $0x5FFFF  }
0xae: {  	[dreg:$0x1] =	wrdreg $0xFFFFFFFF  }
0xaf: {  	[dreg:$0x0] =	wrdreg $0x60  }
0xb0: {  	[dreg:$0x2] =	wrdreg s2  }
0xb1: {  	[dreg:$0x3] =	wrdreg s19  }
0xb2: {  	[dreg:$0x4] =	wrdreg s4  }
0xb3: {  	[dreg:$0x5] =	wrdreg $0x9  }
0xb4: {  	_ =	task.clear_ibuf [dreg:s9], $0x6FFFF;
	_ =	strace $0x90000046  }
0xb5: {  	s29 =	simm.s32 $0x9;
	_ =	strace $0x80000048  }
0xb6: {  	_ =	swait.ge [sflag:s29], $0x1  }
0xb7: {  	[sflag:s29] =	ssyncadd.s32 $0xFFFFFFFF  }
0xb8: {  	_ =	strace $0x90000048  }
0xb9: {  	_ =	sfence  }
0xba: {  	s30 =	sld [smem:$0x0];
	_ =	sdelay $0x2  }
0xbb: {  	s31 =	sshll.u32 s1, $0xD;
	s1 =	sshrl.u32 s1, $0x2  }
0xbc: {  	s3 =	sand.u32 $0x4000, s31;
	s1 =	sadd.s32 s1, s30  }
0xbd: {  	s0 =	sor.u32 s3, s0;
	s1 =	sshll.u32 s1, $0x11  }
0xbe: {  	s0 =	sor.u32 s1, s0  }
0xbf: {  	s0 =	sadd.s32 $0x8F2B, s0  }
0xc0: {  	[sflag:s0] =	ssyncadd.remote.s32 $0x1  }
0xc1: {  	_ =	sfence.sel $0xFFFF  }
0xc2: {  	[dreg:$0x0] =	wrdreg $0xFFFFFFFF;
	(pc) =	sbr.abs _section_cstart, $3  }
0xc3: {  	[dreg:$0x1] =	wrdreg $0xFFFFFFFF  }
0xc4: {  	_ =	task.clear_ibuf [dreg:s9], $0x2FFFF;
	_ =	strace $0x9FFFFFFF  }
0xc5: {  	(tm) =	ssettm $0x7FFFFFFF  }
tec
execute0_lowered:
.L_overlay_start_1:
0x0: {  	(tag) =	ssettag $0x1  }
0x1: {  	s4 =	rddreg [dreg:$0x0]  }
0x2: {  	s1 =	rddreg [dreg:$0x1]  }
0x3: {  	s5 =	rddreg [dreg:$0x2]  }
0x4: {  	s0 =	rddreg [dreg:$0x3];
	s3 =	simm.s32 $0x0;
	s6 =	srdreg.scid  }
0x5: {  	s2 =	stileid.u32;
	s10 =	simm.s32 $0x80;
	s11 =	simm.s32 $0x1  }
0x6: {  	s12 =	simm.s32 $0x7400;
	s13 =	simm.s32 $0x0;
	s6 =	sand.u32 $0x1, s6  }
0x7: {  	[smem:$0x7FF] =	sst s3;
	s8 =	sshll.u32 s2, $0xA;
	s7 =	ssub.s32 $0x2, s6  }
0x8: {  	s6 =	sshll.u32 s6, $0x9;
	_ =	strace $0x80000047;
	s9 =	sshrl.u32 s7, $0x1  }
0x9: {  	s6 =	sor.u32 s6, s8;
	s8 =	simm.s32 $0x20000;
	s7 =	ssub.s32 s7, s9  }
0xa: {  	s4 =	sadd.s32 s4, s6;
	s6 =	sshrl.u32 s6, $0x3;
	s9 =	simm.s32 $0x2  }
0xb: {  	s5 =	sadd.s32 s5, s6;
	s6 =	smax.u32 s7, $0x1;
	s7 =	simm.s32 $0x1000  }
.LBB2_1:
0xc: {  	[tilespmem:s3], [sflag:$0x2] =	stream.strided.gather [hbm4b:s4+s7], $0x4000, s8, s7, $0x38;
	[tilespmem:$0x7600] =	vst v63  }
0xd: {  	_ =	swait.ge [sflag:s9], $0x4000  }
0xe: {  	s14 =	sand.u32 $0x3000, s3;
	s15 =	sand.u32 $0x380, s3;
	[sflag:s9] =	ssyncset.done $0x0  }
0xf: {  	s14 =	sor.u32 s15, s14;
	[sflag:s9] =	ssyncadd.s32 $0xFFFFC000  }
0x10: {  	v0 =	vld [tilespmem:s14+$0x0]  }
0x11: {  	v1 =	vld [tilespmem:s14+$0x10]  }
0x12: {  	v2 =	vld [tilespmem:s14+$0x20]  }
0x13: {  	v3 =	vld [tilespmem:s14+$0x30]  }
0x14: {  	v4 =	vld [tilespmem:s14+$0x40]  }
0x15: {  	v5 =	vld [tilespmem:s14+$0x50];
	v0 =	vadd.s32 s3, v0  }
0x16: {  	[tilespmem:s14+$0x0] =	vst v0;
	v0 =	vadd.s32 s3, v1;
	v1 =	vld [tilespmem:s14+$0x60]  }
0x17: {  	[tilespmem:s14+$0x10] =	vst v0;
	v0 =	vadd.s32 s3, v2;
	v2 =	vld [tilespmem:s14+$0x70]  }
0x18: {  	[tilespmem:s14+$0x20] =	vst v0;
	v0 =	vadd.s32 s3, v3;
	v3 =	vld [tilespmem:s14+$0x400]  }
0x19: {  	[tilespmem:s14+$0x30] =	vst v0;
	v0 =	vadd.s32 s3, v4;
	v4 =	vld [tilespmem:s14+$0x410]  }
0x1a: {  	[tilespmem:s14+$0x40] =	vst v0;
	v0 =	vadd.s32 s3, v5;
	v5 =	vld [tilespmem:s14+$0x420]  }
0x1b: {  	[tilespmem:s14+$0x50] =	vst v0;
	v0 =	vadd.s32 s3, v1;
	v1 =	vld [tilespmem:s14+$0x430]  }
0x1c: {  	[tilespmem:s14+$0x60] =	vst v0;
	v0 =	vadd.s32 s3, v2;
	v2 =	vld [tilespmem:s14+$0x440]  }
0x1d: {  	[tilespmem:s14+$0x70] =	vst v0;
	v0 =	vadd.s32 s3, v3;
	v3 =	vld [tilespmem:s14+$0x450]  }
0x1e: {  	[tilespmem:s14+$0x400] =	vst v0;
	v0 =	vadd.s32 s3, v4;
	v4 =	vld [tilespmem:s14+$0x460]  }
0x1f: {  	[tilespmem:s14+$0x410] =	vst v0;
	v0 =	vadd.s32 s3, v5;
	v5 =	vld [tilespmem:s14+$0x470]  }
0x20: {  	[tilespmem:s14+$0x420] =	vst v0;
	v0 =	vadd.s32 s3, v1;
	v1 =	vld [tilespmem:s14+$0x800]  }
0x21: {  	[tilespmem:s14+$0x430] =	vst v0;
	v0 =	vadd.s32 s3, v2;
	v2 =	vld [tilespmem:s14+$0x810]  }
0x22: {  	[tilespmem:s14+$0x440] =	vst v0;
	v0 =	vadd.s32 s3, v3;
	v3 =	vld [tilespmem:s14+$0x820]  }
0x23: {  	[tilespmem:s14+$0x450] =	vst v0;
	v0 =	vadd.s32 s3, v4;
	v4 =	vld [tilespmem:s14+$0x830]  }
0x24: {  	[tilespmem:s14+$0x460] =	vst v0;
	v0 =	vadd.s32 s3, v5;
	v5 =	vld [tilespmem:s14+$0x840]  }
0x25: {  	[tilespmem:s14+$0x470] =	vst v0;
	v0 =	vadd.s32 s3, v1;
	v1 =	vld [tilespmem:s14+$0x850]  }
0x26: {  	[tilespmem:s14+$0x800] =	vst v0;
	v0 =	vadd.s32 s3, v2;
	v2 =	vld [tilespmem:s14+$0x860]  }
0x27: {  	v6 =	vld [tilespmem:s14+$0x870];
	[tilespmem:s14+$0x810] =	vst v0;
	v0 =	vadd.s32 s3, v3  }
0x28: {  	[tilespmem:s14+$0x820] =	vst v0;
	v0 =	vadd.s32 s3, v4;
	v4 =	vld [tilespmem:s14+$0xC00]  }
0x29: {  	v3 =	vld [tilespmem:s14+$0xC10];
	[tilespmem:s14+$0x830] =	vst v0;
	v0 =	vadd.s32 s3, v5  }
0x2a: {  	[tilespmem:s14+$0x840] =	vst v0;
	v0 =	vadd.s32 s3, v1;
	v1 =	vld [tilespmem:s14+$0xC20]  }
0x2b: {  	[tilespmem:s14+$0x850] =	vst v0;
	v2 =	vadd.s32 s3, v2;
	v0 =	vld [tilespmem:s14+$0xC30]  }
0x2c: {  	s16 =	simm.s32 $0x80;
	v5 =	vadd.s32 s3, v6;
	[tilespmem:s14+$0x860] =	vst v2;
	v2 =	vld [tilespmem:s14+$0xC40]  }
0x2d: {  	s17 =	simm.s32 $0x200;
	s18 =	simm.s32 $0xF4240;
	s15 =	simm.s32 $0x0;
	[tilespmem:s14+$0x870] =	vst v5;
	v5 =	vadd.s32 s3, v4;
	v4 =	vld [tilespmem:s14+$0xC50]  }
.LBB2_2:
0x2e: {  	s19 =	sand.u32 $0x3000, s17;
	s20 =	sand.u32 $0x380, s16;
	p0 =	sne.s32 s18, $0x17D7840;
	[tilespmem:s14+$0xC00] =	vst v5;
	v3 =	vadd.s32 s15, v3;
	v5 =	vld [tilespmem:s14+$0xC60]  }
0x2f: {  	s19 =	sor.u32 s20, s19;
	[tilespmem:s14+$0xC10] =	vst v3;
	v1 =	vadd.s32 s15, v1;
	v3 =	vld [tilespmem:s14+$0xC70]  }
0x30: {  	v6 =	vld [tilespmem:s19+$0x0];
	[tilespmem:s14+$0xC20] =	vst v1;
	v0 =	vadd.s32 s15, v0  }
0x31: {  	v1 =	vld [tilespmem:s19+$0x10];
	[tilespmem:s14+$0xC30] =	vst v0;
	v0 =	vadd.s32 s15, v2  }
0x32: {  	v2 =	vld [tilespmem:s19+$0x20];
	[tilespmem:s14+$0xC40] =	vst v0;
	v0 =	vadd.s32 s15, v4  }
0x33: {  	v4 =	vld [tilespmem:s19+$0x30];
	[tilespmem:s14+$0xC50] =	vst v0;
	v0 =	vadd.s32 s15, v5  }
0x34: {  	v5 =	vld [tilespmem:s19+$0x40];
	[tilespmem:s14+$0xC60] =	vst v0;
	v0 =	vadd.s32 s15, v3;
	s15 =	smov.u32 s18  }
0x35: {  	v3 =	vadd.s32 s18, v6;
	v6 =	vld [tilespmem:s19+$0x50];
	[tilespmem:s14+$0xC70] =	vst v0;
	s14 =	smov.u32 s19  }
0x36: {  	[tilespmem:s14+$0x0] =	vst v3;
	v0 =	vadd.s32 s18, v1;
	v1 =	vld [tilespmem:s14+$0x60]  }
0x37: {  	[tilespmem:s14+$0x10] =	vst v0;
	v0 =	vadd.s32 s18, v2;
	v2 =	vld [tilespmem:s14+$0x70]  }
0x38: {  	[tilespmem:s14+$0x20] =	vst v0;
	v0 =	vadd.s32 s18, v4;
	v3 =	vld [tilespmem:s14+$0x400]  }
0x39: {  	[tilespmem:s14+$0x30] =	vst v0;
	v0 =	vadd.s32 s18, v5;
	v4 =	vld [tilespmem:s14+$0x410]  }
0x3a: {  	[tilespmem:s14+$0x40] =	vst v0;
	v0 =	vadd.s32 s18, v6;
	v5 =	vld [tilespmem:s14+$0x420]  }
0x3b: {  	[tilespmem:s14+$0x50] =	vst v0;
	v0 =	vadd.s32 s18, v1;
	v1 =	vld [tilespmem:s14+$0x430]  }
0x3c: {  	[tilespmem:s14+$0x60] =	vst v0;
	v0 =	vadd.s32 s18, v2;
	v2 =	vld [tilespmem:s14+$0x440]  }
0x3d: {  	[tilespmem:s14+$0x70] =	vst v0;
	v0 =	vadd.s32 s18, v3;
	v3 =	vld [tilespmem:s14+$0x450]  }
0x3e: {  	[tilespmem:s14+$0x400] =	vst v0;
	v0 =	vadd.s32 s18, v4;
	v4 =	vld [tilespmem:s14+$0x460]  }
0x3f: {  	[tilespmem:s14+$0x410] =	vst v0;
	v0 =	vadd.s32 s18, v5;
	v5 =	vld [tilespmem:s14+$0x470]  }
0x40: {  	[tilespmem:s14+$0x420] =	vst v0;
	v0 =	vadd.s32 s18, v1;
	v1 =	vld [tilespmem:s14+$0x800]  }
0x41: {  	[tilespmem:s14+$0x430] =	vst v0;
	v0 =	vadd.s32 s18, v2;
	v2 =	vld [tilespmem:s14+$0x810]  }
0x42: {  	[tilespmem:s14+$0x440] =	vst v0;
	v0 =	vadd.s32 s18, v3;
	v3 =	vld [tilespmem:s14+$0x820]  }
0x43: {  	[tilespmem:s14+$0x450] =	vst v0;
	v0 =	vadd.s32 s18, v4;
	v4 =	vld [tilespmem:s14+$0x830]  }
0x44: {  	[tilespmem:s14+$0x460] =	vst v0;
	v0 =	vadd.s32 s18, v5;
	v5 =	vld [tilespmem:s14+$0x840]  }
0x45: {  	[tilespmem:s14+$0x470] =	vst v0;
	v0 =	vadd.s32 s18, v1;
	v1 =	vld [tilespmem:s14+$0x850]  }
0x46: {  	[tilespmem:s14+$0x800] =	vst v0;
	v0 =	vadd.s32 s18, v2;
	v2 =	vld [tilespmem:s14+$0x860]  }
0x47: {  	[tilespmem:s14+$0x810] =	vst v0;
	v0 =	vadd.s32 s18, v3;
	v6 =	vld [tilespmem:s14+$0x870]  }
0x48: {  	[tilespmem:s14+$0x820] =	vst v0;
	v0 =	vadd.s32 s18, v4;
	v4 =	vld [tilespmem:s14+$0xC00]  }
.Ltmp0:
0x49: {  	[tilespmem:s14+$0x830] =	vst v0;
	v0 =	vadd.s32 s18, v5;
	v3 =	vld [tilespmem:s14+$0xC10];
	(pc) =	sbr.rel @p0 .LBB2_2-.Ltmp0, $4  }
0x4a: {  	[tilespmem:s14+$0x840] =	vst v0;
	v0 =	vadd.s32 s18, v1;
	v1 =	vld [tilespmem:s14+$0xC20]  }
0x4b: {  	[tilespmem:s14+$0x850] =	vst v0;
	v2 =	vadd.s32 s18, v2;
	v0 =	vld [tilespmem:s14+$0xC30]  }
0x4c: {  	[tilespmem:s14+$0x860] =	vst v2;
	v5 =	vadd.s32 s18, v6;
	v2 =	vld [tilespmem:s14+$0xC40]  }
0x4d: {  	s16 =	sadd.s32 $0x80, s16;
	s17 =	sadd.s32 $0x200, s17;
	s18 =	sadd.s32 $0xF4240, s18;
	[tilespmem:s14+$0x870] =	vst v5;
	v5 =	vadd.s32 s15, v4;
	v4 =	vld [tilespmem:s14+$0xC50]  }
0x4e: {  	[tilespmem:s14+$0xC00] =	vst v5;
	v3 =	vadd.s32 s15, v3;
	v58 =	vld [tilespmem:s14+$0xC60]  }
0x4f: {  	v59 =	vld [tilespmem:s14+$0xC70];
	[tilespmem:s14+$0xC10] =	vst v3;
	v1 =	vadd.s32 s15, v1  }
0x50: {  	[tilespmem:s14+$0xC20] =	vst v1;
	v0 =	vadd.s32 s15, v0  }
0x51: {  	[tilespmem:s14+$0xC30] =	vst v0;
	v60 =	vadd.s32 s15, v2  }
0x52: {  	s16 =	simm.s32 $0x0;
	s17 =	simm.s32 $0x0;
	[tilespmem:s14+$0xC40] =	vst v60;
	v61 =	vadd.s32 s15, v4  }
0x53: {  	s18 =	simm.s32 $0x0;
	s16 =	sand.u32 $0xFFFFC000, s16;
	s17 =	sand.u32 $0xE00, s17;
	[tilespmem:s14+$0xC50] =	vst v61;
	v62 =	vadd.s32 s15, v58  }
0x54: {  	s18 =	sand.u32 $0xFFFFC000, s18;
	s17 =	sor.u32 s17, s16;
	s16 =	simm.s32 $0x1;
	v63 =	vadd.s32 s15, v59;
	[tilespmem:s14+$0xC60] =	vst v62  }
0x55: {  	s17 =	ssub.s32 s17, s18;
	s15 =	simm.s32 $0x0;
	[tilespmem:s14+$0xC70] =	vst v63;
	s14 =	simm.s32 $0x4000  }
.LBB2_4:
0x56: {  	s18 =	sshll.u32 s16, $0x9;
	s19 =	sshll.u32 s16, $0xC  }
0x57: {  	s17 =	sshra.s32 s17, $0x2;
	s20 =	sshll.u32 s16, $0x7;
	p0 =	sne.s32 s16, $0x67  }
.Ltmp1:
0x58: {  	s18 =	sand.u32 $0xFFFFC000, s18;
	s17 =	sadd.s32 s17, s15;
	(pc) =	sbr.rel @p0 .LBB2_4-.Ltmp1, $4  }
0x59: {  	[tilespmem:s14], [sflag:$0x1] =	stream.indirect.gather [hbm4b:s1+s10], $0x1, s17, s10, $0xb8;
	[tilespmem:$0x7600] =	vst v63  }
0x5a: {  	s16 =	sadd.s32 $0x1, s16;
	s17 =	sand.u32 $0xE00, s20  }
0x5b: {  	s17 =	sor.u32 s17, s18;
	s18 =	sand.u32 $0xFFFFC000, s19  }
0x5c: {  	s15 =	sadd.s32 $0x400, s15;
	s14 =	sadd.s32 $0x80, s14;
	s17 =	ssub.s32 s17, s18  }
0x5d: {  	s16 =	sshra.s32 s17, $0x2  }
0x5e: {  	s15 =	sadd.s32 s16, s15  }
0x5f: {  	[tilespmem:s14], [sflag:$0x1] =	stream.indirect.gather [hbm4b:s1+s10], $0x1, s15, s10, $0xb8;
	[tilespmem:$0x7600] =	vst v63  }
0x60: {  	_ =	swait.ge [sflag:s11], $0x3400  }
0x61: {  	[sflag:s11] =	ssyncset.done $0x0  }
0x62: {  	v18 =	vimm.f32 $0.0e+00;
	[sflag:s11] =	ssyncadd.s32 $0xFFFFCC00  }
0x63: {  	[tilespmem:$0x7400] =	vst v18  }
0x64: {  	[tilespmem:$0x7410] =	vst v18  }
0x65: {  	[tilespmem:$0x7420] =	vst v18  }
0x66: {  	[tilespmem:$0x7430] =	vst v18  }
0x67: {  	[tilespmem:$0x7440] =	vst v18  }
0x68: {  	[tilespmem:$0x7450] =	vst v18  }
0x69: {  	[tilespmem:$0x7460] =	vst v18  }
0x6a: {  	[tilespmem:$0x7470] =	vst v18  }
0x6b: {  	[tilespmem:$0x7480] =	vst v18  }
0x6c: {  	[tilespmem:$0x7490] =	vst v18  }
0x6d: {  	[tilespmem:$0x74A0] =	vst v18  }
0x6e: {  	[tilespmem:$0x74B0] =	vst v18  }
0x6f: {  	[tilespmem:$0x74C0] =	vst v18  }
0x70: {  	[tilespmem:$0x74D0] =	vst v18  }
0x71: {  	[tilespmem:$0x74E0] =	vst v18  }
0x72: {  	[tilespmem:$0x74F0] =	vst v18  }
0x73: {  	[tilespmem:$0x7500] =	vst v18  }
0x74: {  	[tilespmem:$0x7510] =	vst v18  }
0x75: {  	[tilespmem:$0x7520] =	vst v18  }
0x76: {  	[tilespmem:$0x7530] =	vst v18  }
0x77: {  	[tilespmem:$0x7540] =	vst v18  }
0x78: {  	v31 =	vimm.f32 $0.0e+00;
	[tilespmem:$0x7550] =	vst v18  }
0x79: {  	v30 =	vimm.f32 $0.0e+00;
	v29 =	vimm.f32 $0.0e+00;
	v28 =	vimm.f32 $0.0e+00;
	[tilespmem:$0x7560] =	vst v18  }
0x7a: {  	v27 =	vimm.f32 $0.0e+00;
	v26 =	vimm.f32 $0.0e+00;
	v25 =	vimm.f32 $0.0e+00;
	[tilespmem:$0x7570] =	vst v18  }
0x7b: {  	v24 =	vimm.f32 $0.0e+00;
	v23 =	vimm.f32 $0.0e+00;
	v22 =	vimm.f32 $0.0e+00;
	[tilespmem:$0x7580] =	vst v18  }
0x7c: {  	v21 =	vimm.f32 $0.0e+00;
	v20 =	vimm.f32 $0.0e+00;
	v19 =	vimm.f32 $0.0e+00;
	[tilespmem:$0x7590] =	vst v18  }
0x7d: {  	v17 =	vimm.f32 $0.0e+00;
	v16 =	vimm.f32 $0.0e+00;
	v15 =	vimm.f32 $0.0e+00;
	[tilespmem:$0x75A0] =	vst v18  }
0x7e: {  	v14 =	vimm.f32 $0.0e+00;
	v13 =	vimm.f32 $0.0e+00;
	v12 =	vimm.f32 $0.0e+00;
	[tilespmem:$0x75B0] =	vst v18  }
0x7f: {  	v11 =	vimm.f32 $0.0e+00;
	v10 =	vimm.f32 $0.0e+00;
	v9 =	vimm.f32 $0.0e+00;
	[tilespmem:$0x75C0] =	vst v18  }
0x80: {  	v8 =	vimm.f32 $0.0e+00;
	v7 =	vimm.f32 $0.0e+00;
	v6 =	vimm.f32 $0.0e+00;
	[tilespmem:$0x75D0] =	vst v18  }
0x81: {  	v5 =	vimm.f32 $0.0e+00;
	v4 =	vimm.f32 $0.0e+00;
	v2 =	vimm.f32 $0.0e+00;
	[tilespmem:$0x75E0] =	vst v18  }
0x82: {  	v3 =	vimm.f32 $0.0e+00;
	v1 =	vimm.f32 $0.0e+00;
	v0 =	vimm.f32 $0.0e+00;
	s14 =	simm.s32 $0x0;
	s15 =	simm.s32 $0x800;
	[tilespmem:$0x75F0] =	vst v18  }
.LBB2_6:
0x83: {  	p0 =	sne.s32 s15, $0xC800;
	v32 =	vld [tilespmem:s14+$0x4000];
	_ =	sdelay $0x4  }
0x84: {  	v18 =	vadd.f32 v32, v18;
	_ =	sdelay $0x1  }
0x85: {  	[tilespmem:$0x7400] =	vst v18  }
0x86: {  	v32 =	vld [tilespmem:s14+$0x4010];
	_ =	sdelay $0x4  }
0x87: {  	v31 =	vadd.f32 v32, v31;
	_ =	sdelay $0x1  }
0x88: {  	[tilespmem:$0x7410] =	vst v31  }
0x89: {  	v32 =	vld [tilespmem:s14+$0x4020];
	_ =	sdelay $0x4  }
0x8a: {  	v30 =	vadd.f32 v32, v30;
	_ =	sdelay $0x1  }
0x8b: {  	[tilespmem:$0x7420] =	vst v30  }
0x8c: {  	v32 =	vld [tilespmem:s14+$0x4030];
	_ =	sdelay $0x4  }
0x8d: {  	v29 =	vadd.f32 v32, v29;
	_ =	sdelay $0x1  }
0x8e: {  	[tilespmem:$0x7430] =	vst v29  }
0x8f: {  	v32 =	vld [tilespmem:s14+$0x4040];
	_ =	sdelay $0x4  }
0x90: {  	v28 =	vadd.f32 v32, v28;
	_ =	sdelay $0x1  }
0x91: {  	[tilespmem:$0x7440] =	vst v28  }
0x92: {  	v32 =	vld [tilespmem:s14+$0x4050];
	_ =	sdelay $0x4  }
0x93: {  	v27 =	vadd.f32 v32, v27;
	_ =	sdelay $0x1  }
0x94: {  	[tilespmem:$0x7450] =	vst v27  }
0x95: {  	v32 =	vld [tilespmem:s14+$0x4060];
	_ =	sdelay $0x4  }
0x96: {  	v26 =	vadd.f32 v32, v26;
	_ =	sdelay $0x1  }
0x97: {  	[tilespmem:$0x7460] =	vst v26  }
0x98: {  	v32 =	vld [tilespmem:s14+$0x4070];
	_ =	sdelay $0x4  }
0x99: {  	v25 =	vadd.f32 v32, v25;
	_ =	sdelay $0x1  }
0x9a: {  	[tilespmem:$0x7470] =	vst v25  }
0x9b: {  	v32 =	vld [tilespmem:s14+$0x4080];
	_ =	sdelay $0x4  }
0x9c: {  	v24 =	vadd.f32 v32, v24;
	_ =	sdelay $0x1  }
0x9d: {  	[tilespmem:$0x7480] =	vst v24  }
0x9e: {  	v32 =	vld [tilespmem:s14+$0x4090];
	_ =	sdelay $0x4  }
0x9f: {  	v23 =	vadd.f32 v32, v23;
	_ =	sdelay $0x1  }
0xa0: {  	[tilespmem:$0x7490] =	vst v23  }
0xa1: {  	v32 =	vld [tilespmem:s14+$0x40A0];
	_ =	sdelay $0x4  }
0xa2: {  	v22 =	vadd.f32 v32, v22;
	_ =	sdelay $0x1  }
0xa3: {  	[tilespmem:$0x74A0] =	vst v22  }
0xa4: {  	v32 =	vld [tilespmem:s14+$0x40B0];
	_ =	sdelay $0x4  }
0xa5: {  	v21 =	vadd.f32 v32, v21;
	_ =	sdelay $0x1  }
0xa6: {  	[tilespmem:$0x74B0] =	vst v21  }
0xa7: {  	v32 =	vld [tilespmem:s14+$0x40C0];
	_ =	sdelay $0x4  }
0xa8: {  	v20 =	vadd.f32 v32, v20;
	_ =	sdelay $0x1  }
0xa9: {  	[tilespmem:$0x74C0] =	vst v20  }
0xaa: {  	v32 =	vld [tilespmem:s14+$0x40D0];
	_ =	sdelay $0x4  }
0xab: {  	v19 =	vadd.f32 v32, v19;
	_ =	sdelay $0x1  }
0xac: {  	[tilespmem:$0x74D0] =	vst v19  }
0xad: {  	v32 =	vld [tilespmem:s14+$0x40E0];
	_ =	sdelay $0x4  }
0xae: {  	v17 =	vadd.f32 v32, v17;
	_ =	sdelay $0x1  }
0xaf: {  	[tilespmem:$0x74E0] =	vst v17  }
0xb0: {  	v32 =	vld [tilespmem:s14+$0x40F0];
	_ =	sdelay $0x4  }
0xb1: {  	v16 =	vadd.f32 v32, v16;
	_ =	sdelay $0x1  }
0xb2: {  	[tilespmem:$0x74F0] =	vst v16  }
0xb3: {  	v32 =	vld [tilespmem:s14+$0x4100];
	_ =	sdelay $0x4  }
0xb4: {  	v15 =	vadd.f32 v32, v15;
	_ =	sdelay $0x1  }
0xb5: {  	[tilespmem:$0x7500] =	vst v15  }
0xb6: {  	v32 =	vld [tilespmem:s14+$0x4110];
	_ =	sdelay $0x4  }
0xb7: {  	v14 =	vadd.f32 v32, v14;
	_ =	sdelay $0x1  }
0xb8: {  	[tilespmem:$0x7510] =	vst v14  }
0xb9: {  	v32 =	vld [tilespmem:s14+$0x4120];
	_ =	sdelay $0x4  }
0xba: {  	v13 =	vadd.f32 v32, v13;
	_ =	sdelay $0x1  }
0xbb: {  	[tilespmem:$0x7520] =	vst v13  }
0xbc: {  	v32 =	vld [tilespmem:s14+$0x4130];
	_ =	sdelay $0x4  }
0xbd: {  	v12 =	vadd.f32 v32, v12;
	_ =	sdelay $0x1  }
0xbe: {  	[tilespmem:$0x7530] =	vst v12  }
0xbf: {  	v32 =	vld [tilespmem:s14+$0x4140];
	_ =	sdelay $0x4  }
0xc0: {  	v11 =	vadd.f32 v32, v11;
	_ =	sdelay $0x1  }
0xc1: {  	[tilespmem:$0x7540] =	vst v11  }
0xc2: {  	v32 =	vld [tilespmem:s14+$0x4150];
	_ =	sdelay $0x4  }
0xc3: {  	v10 =	vadd.f32 v32, v10;
	_ =	sdelay $0x1  }
0xc4: {  	[tilespmem:$0x7550] =	vst v10  }
0xc5: {  	v32 =	vld [tilespmem:s14+$0x4160];
	_ =	sdelay $0x4  }
0xc6: {  	v9 =	vadd.f32 v32, v9;
	_ =	sdelay $0x1  }
0xc7: {  	[tilespmem:$0x7560] =	vst v9  }
0xc8: {  	v32 =	vld [tilespmem:s14+$0x4170];
	_ =	sdelay $0x4  }
0xc9: {  	v8 =	vadd.f32 v32, v8;
	_ =	sdelay $0x1  }
0xca: {  	[tilespmem:$0x7570] =	vst v8  }
0xcb: {  	v32 =	vld [tilespmem:s14+$0x4180];
	_ =	sdelay $0x4  }
0xcc: {  	v7 =	vadd.f32 v32, v7;
	_ =	sdelay $0x1  }
0xcd: {  	[tilespmem:$0x7580] =	vst v7  }
0xce: {  	v32 =	vld [tilespmem:s14+$0x4190];
	_ =	sdelay $0x4  }
0xcf: {  	v6 =	vadd.f32 v32, v6;
	_ =	sdelay $0x1  }
0xd0: {  	[tilespmem:$0x7590] =	vst v6  }
0xd1: {  	v32 =	vld [tilespmem:s14+$0x41A0];
	_ =	sdelay $0x4  }
0xd2: {  	v5 =	vadd.f32 v32, v5;
	_ =	sdelay $0x1  }
0xd3: {  	[tilespmem:$0x75A0] =	vst v5  }
0xd4: {  	v32 =	vld [tilespmem:s14+$0x41B0];
	_ =	sdelay $0x4  }
0xd5: {  	v4 =	vadd.f32 v32, v4;
	_ =	sdelay $0x1  }
0xd6: {  	[tilespmem:$0x75B0] =	vst v4  }
0xd7: {  	v32 =	vld [tilespmem:s14+$0x41C0];
	_ =	sdelay $0x4  }
0xd8: {  	v2 =	vadd.f32 v32, v2;
	_ =	sdelay $0x1  }
0xd9: {  	[tilespmem:$0x75C0] =	vst v2  }
0xda: {  	v32 =	vld [tilespmem:s14+$0x41D0];
	_ =	sdelay $0x4  }
0xdb: {  	v3 =	vadd.f32 v32, v3;
	_ =	sdelay $0x1  }
0xdc: {  	[tilespmem:$0x75D0] =	vst v3  }
0xdd: {  	v32 =	vld [tilespmem:s14+$0x41E0];
	_ =	sdelay $0x4  }
0xde: {  	v1 =	vadd.f32 v32, v1;
	_ =	sdelay $0x1  }
0xdf: {  	[tilespmem:$0x75E0] =	vst v1  }
0xe0: {  	v32 =	vld [tilespmem:s14+$0x41F0];
	_ =	sdelay $0x2  }
.Ltmp2:
0xe1: {  	(pc) =	sbr.rel @p0 .LBB2_6-.Ltmp2, $3  }
0xe2: {  	_ = 	snop  }
0xe3: {  	v0 =	vadd.f32 v32, v0;
	_ =	sdelay $0x1  }
0xe4: {  	s14 =	sshra.s32 s15, $0x2;
	s15 =	sadd.s32 $0x800, s15;
	[tilespmem:$0x75F0] =	vst v0  }
0xe5: {  	v32 =	vld [tilespmem:s14+$0x4000];
	_ =	sdelay $0x4  }
0xe6: {  	v18 =	vadd.f32 v32, v18;
	_ =	sdelay $0x1  }
0xe7: {  	[tilespmem:$0x7400] =	vst v18  }
0xe8: {  	v18 =	vld [tilespmem:s14+$0x4010];
	_ =	sdelay $0x4  }
0xe9: {  	v18 =	vadd.f32 v18, v31;
	_ =	sdelay $0x1  }
0xea: {  	[tilespmem:$0x7410] =	vst v18  }
0xeb: {  	v18 =	vld [tilespmem:s14+$0x4020];
	_ =	sdelay $0x4  }
0xec: {  	v18 =	vadd.f32 v18, v30;
	_ =	sdelay $0x1  }
0xed: {  	[tilespmem:$0x7420] =	vst v18  }
0xee: {  	v18 =	vld [tilespmem:s14+$0x4030];
	_ =	sdelay $0x4  }
0xef: {  	v18 =	vadd.f32 v18, v29;
	_ =	sdelay $0x1  }
0xf0: {  	[tilespmem:$0x7430] =	vst v18  }
0xf1: {  	v18 =	vld [tilespmem:s14+$0x4040];
	_ =	sdelay $0x4  }
0xf2: {  	v18 =	vadd.f32 v18, v28;
	_ =	sdelay $0x1  }
0xf3: {  	[tilespmem:$0x7440] =	vst v18  }
0xf4: {  	v18 =	vld [tilespmem:s14+$0x4050];
	_ =	sdelay $0x4  }
0xf5: {  	v18 =	vadd.f32 v18, v27;
	_ =	sdelay $0x1  }
0xf6: {  	[tilespmem:$0x7450] =	vst v18  }
0xf7: {  	v18 =	vld [tilespmem:s14+$0x4060];
	_ =	sdelay $0x4  }
0xf8: {  	v18 =	vadd.f32 v18, v26;
	_ =	sdelay $0x1  }
0xf9: {  	[tilespmem:$0x7460] =	vst v18  }
0xfa: {  	v18 =	vld [tilespmem:s14+$0x4070];
	_ =	sdelay $0x4  }
0xfb: {  	v18 =	vadd.f32 v18, v25;
	_ =	sdelay $0x1  }
0xfc: {  	[tilespmem:$0x7470] =	vst v18  }
0xfd: {  	v18 =	vld [tilespmem:s14+$0x4080];
	_ =	sdelay $0x4  }
0xfe: {  	v18 =	vadd.f32 v18, v24;
	_ =	sdelay $0x1  }
0xff: {  	[tilespmem:$0x7480] =	vst v18  }
0x100: {  	v18 =	vld [tilespmem:s14+$0x4090];
	_ =	sdelay $0x4  }
0x101: {  	v18 =	vadd.f32 v18, v23;
	_ =	sdelay $0x1  }
0x102: {  	[tilespmem:$0x7490] =	vst v18  }
0x103: {  	v18 =	vld [tilespmem:s14+$0x40A0];
	_ =	sdelay $0x4  }
0x104: {  	v18 =	vadd.f32 v18, v22;
	_ =	sdelay $0x1  }
0x105: {  	[tilespmem:$0x74A0] =	vst v18  }
0x106: {  	v18 =	vld [tilespmem:s14+$0x40B0];
	_ =	sdelay $0x4  }
0x107: {  	v18 =	vadd.f32 v18, v21;
	_ =	sdelay $0x1  }
0x108: {  	[tilespmem:$0x74B0] =	vst v18  }
0x109: {  	v18 =	vld [tilespmem:s14+$0x40C0];
	_ =	sdelay $0x4  }
0x10a: {  	v18 =	vadd.f32 v18, v20;
	_ =	sdelay $0x1  }
0x10b: {  	[tilespmem:$0x74C0] =	vst v18  }
0x10c: {  	v18 =	vld [tilespmem:s14+$0x40D0];
	_ =	sdelay $0x4  }
0x10d: {  	v18 =	vadd.f32 v18, v19;
	_ =	sdelay $0x1  }
0x10e: {  	[tilespmem:$0x74D0] =	vst v18  }
0x10f: {  	v18 =	vld [tilespmem:s14+$0x40E0];
	_ =	sdelay $0x4  }
0x110: {  	v17 =	vadd.f32 v18, v17;
	_ =	sdelay $0x1  }
0x111: {  	[tilespmem:$0x74E0] =	vst v17  }
0x112: {  	v17 =	vld [tilespmem:s14+$0x40F0];
	_ =	sdelay $0x4  }
0x113: {  	v16 =	vadd.f32 v17, v16;
	_ =	sdelay $0x1  }
0x114: {  	[tilespmem:$0x74F0] =	vst v16  }
0x115: {  	v16 =	vld [tilespmem:s14+$0x4100];
	_ =	sdelay $0x4  }
0x116: {  	v15 =	vadd.f32 v16, v15;
	_ =	sdelay $0x1  }
0x117: {  	[tilespmem:$0x7500] =	vst v15  }
0x118: {  	v15 =	vld [tilespmem:s14+$0x4110];
	_ =	sdelay $0x4  }
0x119: {  	v14 =	vadd.f32 v15, v14;
	_ =	sdelay $0x1  }
0x11a: {  	[tilespmem:$0x7510] =	vst v14  }
0x11b: {  	v14 =	vld [tilespmem:s14+$0x4120];
	_ =	sdelay $0x4  }
0x11c: {  	v13 =	vadd.f32 v14, v13;
	_ =	sdelay $0x1  }
0x11d: {  	[tilespmem:$0x7520] =	vst v13  }
0x11e: {  	v13 =	vld [tilespmem:s14+$0x4130];
	_ =	sdelay $0x4  }
0x11f: {  	v12 =	vadd.f32 v13, v12;
	_ =	sdelay $0x1  }
0x120: {  	[tilespmem:$0x7530] =	vst v12  }
0x121: {  	v12 =	vld [tilespmem:s14+$0x4140];
	_ =	sdelay $0x4  }
0x122: {  	v11 =	vadd.f32 v12, v11;
	_ =	sdelay $0x1  }
0x123: {  	[tilespmem:$0x7540] =	vst v11  }
0x124: {  	v11 =	vld [tilespmem:s14+$0x4150];
	_ =	sdelay $0x4  }
0x125: {  	v10 =	vadd.f32 v11, v10;
	_ =	sdelay $0x1  }
0x126: {  	[tilespmem:$0x7550] =	vst v10  }
0x127: {  	v10 =	vld [tilespmem:s14+$0x4160];
	_ =	sdelay $0x4  }
0x128: {  	v9 =	vadd.f32 v10, v9;
	_ =	sdelay $0x1  }
0x129: {  	[tilespmem:$0x7560] =	vst v9  }
0x12a: {  	v9 =	vld [tilespmem:s14+$0x4170];
	_ =	sdelay $0x4  }
0x12b: {  	v8 =	vadd.f32 v9, v8;
	_ =	sdelay $0x1  }
0x12c: {  	[tilespmem:$0x7570] =	vst v8  }
0x12d: {  	v8 =	vld [tilespmem:s14+$0x4180];
	_ =	sdelay $0x4  }
0x12e: {  	v7 =	vadd.f32 v8, v7;
	_ =	sdelay $0x1  }
0x12f: {  	[tilespmem:$0x7580] =	vst v7  }
0x130: {  	v7 =	vld [tilespmem:s14+$0x4190];
	_ =	sdelay $0x4  }
0x131: {  	v6 =	vadd.f32 v7, v6;
	_ =	sdelay $0x1  }
0x132: {  	[tilespmem:$0x7590] =	vst v6  }
0x133: {  	v6 =	vld [tilespmem:s14+$0x41A0];
	_ =	sdelay $0x4  }
0x134: {  	v5 =	vadd.f32 v6, v5;
	_ =	sdelay $0x1  }
0x135: {  	[tilespmem:$0x75A0] =	vst v5  }
0x136: {  	v5 =	vld [tilespmem:s14+$0x41B0];
	_ =	sdelay $0x4  }
0x137: {  	v4 =	vadd.f32 v5, v4;
	_ =	sdelay $0x1  }
0x138: {  	[tilespmem:$0x75B0] =	vst v4  }
0x139: {  	v4 =	vld [tilespmem:s14+$0x41C0];
	_ =	sdelay $0x4  }
0x13a: {  	v2 =	vadd.f32 v4, v2;
	_ =	sdelay $0x1  }
0x13b: {  	[tilespmem:$0x75C0] =	vst v2  }
0x13c: {  	v2 =	vld [tilespmem:s14+$0x41D0];
	_ =	sdelay $0x4  }
0x13d: {  	v2 =	vadd.f32 v2, v3;
	_ =	sdelay $0x1  }
0x13e: {  	[tilespmem:$0x75D0] =	vst v2  }
0x13f: {  	v2 =	vld [tilespmem:s14+$0x41E0];
	_ =	sdelay $0x4  }
0x140: {  	v1 =	vadd.f32 v2, v1;
	_ =	sdelay $0x1  }
0x141: {  	[tilespmem:$0x75E0] =	vst v1  }
0x142: {  	v1 =	vld [tilespmem:s14+$0x41F0];
	_ =	sdelay $0x4  }
0x143: {  	s13 =	sadd.s32 $0x1, s13;
	v0 =	vadd.f32 v1, v0  }
0x144: {  	p0 =	sne.s32 s13, s6  }
.Ltmp3:
0x145: {  	[tilespmem:$0x75F0] =	vst v0;
	(pc) =	sbr.rel @p0 .LBB2_1-.Ltmp3, $4  }
0x146: {  	[hbm4b:s5+s3] =	stream.linear.scatter [tilespmem:s12], [sflag:$0x2], $0x200, $0x38;
	[tilespmem:$0x7600] =	vst v63  }
0x147: {  	_ =	swait.ge [sflag:s9], $0x200  }
0x148: {  	[sflag:s9] =	ssyncset.done $0x0  }
0x149: {  	[sflag:s9] =	ssyncadd.s32 $0xFFFFFE00  }
0x14a: {  	_ =	sfence.sel $0x180000  }
0x14b: {  	[bflag:$0x0] =	sbarrier.arrive $0xFFFF  }
0x14c: {  	p0 =	sne.s32 s2, $0x0;
	_ =	strace $0x90000047  }
0x14d: {  	s0 =	sadd.s32 @!p0 $0x100000, s0;
	[bflag:$0x2] =	sbarrier.arrive $0xFFFF  }
0x14e: {  	[sflag:s0] =	ssyncadd.tile.s32 @!p0 $0x1;
	_ =	shalt  }
.Lfunc_end2:
_tile_overlayer_lowered:
.L_overlay_start_2:
0x14f: {  	(tag) =	ssettag $0x2  }
0x150: {  	s0 =	rddreg [dreg:$0x0];
	s2 =	stileid.u32  }
0x151: {  	s1 =	rddreg [dreg:$0x1];
	p0 =	sne.s32 s2, $0x0  }
0x152: {  	s3 =	rddreg [dreg:$0x2];
	[bflag:$0x3] =	sbarrier.arrive $0xFFFF;
	s2 =	simm.s32 @!p0 $0x1C02  }
0x153: {  	[timem:s3], [sflag:s2] =	dma.local @!p0 [hbm:s0], s1  }
0x154: {  	s0 =	simm.s32 @!p0 $0x2  }
0x155: {  	_ =	swait.ge @!p0 [sflag:s0], s1  }
0x156: {  	s1 =	ssub.s32 @!p0 $0x0, s1;
	[sflag:s0] =	ssyncset.done @!p0 $0x0  }
0x157: {  	[sflag:s0] =	ssyncadd.s32 @!p0 s1  }
0x158: {  	[bflag:$0x3] =	sbarrier.arrive $0xFFFF  }
0x159: {  	_ =	shalt  }

</sc_bundles>
